<compile_context>
chip_gen: v7x
topology: tpu7x:2x2x1
jax: 0.10.2.dev20260603
libtpu: 0.0.44.dev20260713+nightly
codegen_flags: <defaults>
</compile_context>

<pallas_src>
import functools

import jax
import jax.numpy as jnp
from jax import lax
from jax.experimental import pallas as pl
from jax.experimental.pallas import tpu as pltpu
from jax.experimental.pallas import tpu_sc as plsc

D = 1024
S = 4096
B = 4
NC, NS = 2, 16
NW = NC * NS
S_PER_W = S // NW
C = 32
L = 16
NG = S_PER_W // C
CH = NG * B


def _sc_add(x, pe):
    mesh = plsc.VectorSubcoreMesh(
        core_axis_name="c", subcore_axis_name="s", num_cores=NC, num_subcores=NS
    )

    @functools.partial(
        pl.kernel,
        out_type=jax.ShapeDtypeStruct((B, S, D), jnp.float32),
        mesh=mesh,
        scratch_types=[
            pltpu.VMEM((C, D), jnp.float32),
            pltpu.VMEM((C, D), jnp.float32),
            pltpu.VMEM((C, D), jnp.float32),
            pltpu.SemaphoreType.DMA,
            pltpu.SemaphoreType.DMA,
            pltpu.SemaphoreType.DMA,
            pltpu.SemaphoreType.DMA,
            pltpu.SemaphoreType.DMA,
        ],
    )
    def k(x_hbm, pe_hbm, out_hbm, xb0, xb1, pb, sx0, sx1, so0, so1, sp):
        xb = (xb0, xb1)
        sx, so = (sx0, sx1), (so0, so1)
        cid = lax.axis_index("c")
        sid = lax.axis_index("s")
        wid = sid * NC + cid
        s_base = wid * S_PER_W

        def start_x(kk):
            g, b = divmod(kk, B)
            return pltpu.async_copy(
                x_hbm.at[b, pl.ds(s_base + g * C, C), :], xb[kk % 2], sx[kk % 2]
            )

        def start_pe(g):
            return pltpu.async_copy(
                pe_hbm.at[pl.ds(s_base + g * C, C), :], pb, sp
            )

        out_d = [None, None]
        pe_d = start_pe(0)
        x_d = start_x(0)
        for kk in range(CH):
            p = kk % 2
            g, b = divmod(kk, B)
            if b == 0:
                pe_d.wait()
            x_d.wait()
            if kk + 1 < CH:
                if out_d[(kk + 1) % 2] is not None:
                    out_d[(kk + 1) % 2].wait()
                x_d = start_x(kk + 1)

            def body(i):
                r = lax.shift_right_logical(i, 10)
                c = pl.multiple_of(lax.bitwise_and(i, D - 1), L)
                plsc.addupdate(xb[p].at[r, pl.ds(c, L)], pb[r, pl.ds(c, L)])

            plsc.parallel_loop(0, C * D, L, unroll=8)(body)
            if b == B - 1 and g + 1 < NG:
                pe_d = start_pe(g + 1)
            out_d[p] = pltpu.async_copy(
                xb[p], out_hbm.at[b, pl.ds(s_base + g * C, C), :], so[p]
            )
        out_d[0].wait()
        out_d[1].wait()

    return k(x, pe)


def kernel(x, pos_embedding):
    return _sc_add(x, pos_embedding)

# --- scband reference (transcript-rebuilt; emitter-appended) ---
"""Pipeline reference for scband-learnable-positional-encoding-85538568667341 (READ-ONLY COPY).

The authoritative reference and input builder live on the scoring server;
editing this copy changes nothing except your own understanding.
"""

import jax, jax.numpy as jnp
import numpy as np

D_MODEL = 1024
MAX_LEN = 8192

def setup_inputs(seed: int = 0) -> dict:
    key = jax.random.key(seed)
    k1, k2 = jax.random.split(key)
    x = jax.random.normal(k1, (4, 4096, D_MODEL), dtype=jnp.float32)
    # nn.init.normal_(mean=0, std=0.1)
    pos_embedding = jax.random.normal(k2, (MAX_LEN, D_MODEL), dtype=jnp.float32) * 0.1
    return {"x": x, "pos_embedding": pos_embedding}

def reference(x, pos_embedding):
    batch_size, seq_len, _ = x.shape
    positions = jnp.arange(0, seq_len, dtype=jnp.int32)[None, :]
    positions = jnp.broadcast_to(positions, (batch_size, seq_len))
    pos_embed = jnp.take(pos_embedding, positions, axis=0)
    return x + pos_embed

if __name__ == "__main__":
    import jax
    _d = setup_inputs()
    print(jax.jit(kernel)(*tuple(_d.values())))

</pallas_src>

<mosaic_0001>
#map = affine_map<(d0, d1) -> (0, 0, 0)>
#map1 = affine_map<(d0, d1) -> (0, 0)>
module attributes {stable_mosaic.version = 14 : i64} {
  func.func @k(%arg0: i32, %arg1: i32, %arg2: memref<4x4096x1024xf32, #tpu.memory_space<hbm>>, %arg3: memref<8192x1024xf32, #tpu.memory_space<hbm>>, %arg4: memref<4x4096x1024xf32, #tpu.memory_space<hbm>>, %arg5: memref<32x1024xf32, #tpu.memory_space<vmem>>, %arg6: memref<32x1024xf32, #tpu.memory_space<vmem>>, %arg7: memref<32x1024xf32, #tpu.memory_space<vmem>>, %arg8: memref<!tpu.dma_semaphore, #tpu.memory_space<semaphore_mem>>, %arg9: memref<!tpu.dma_semaphore, #tpu.memory_space<semaphore_mem>>, %arg10: memref<!tpu.dma_semaphore, #tpu.memory_space<semaphore_mem>>, %arg11: memref<!tpu.dma_semaphore, #tpu.memory_space<semaphore_mem>>, %arg12: memref<!tpu.dma_semaphore, #tpu.memory_space<semaphore_mem>>) attributes {dimension_semantics = [#tpu.dimension_semantics<core_parallel>, #tpu.dimension_semantics<subcore_parallel>], iteration_bounds = array<i64: 2, 16>, scalar_prefetch = 0 : i64, scratch_operands = 8 : i64, tpu.core_type = #tpu.core_type<sc_vector_subcore>, window_params = [{transform_indices = #map}, {transform_indices = #map1}, {transform_indices = #map}]} {
    %mul3A = arith.constant 2 : i32
    %mul3A_0 = arith.muli %arg1, %mul3A : i32
    %add3A = arith.addi %mul3A_0, %arg0 : i32
    %mul3A_1 = arith.constant 128 : i32
    %mul3A_2 = arith.muli %add3A, %mul3A_1 : i32
    %add3A_3 = arith.constant 0 : i32
    %add3A_4 = arith.addi %mul3A_2, %add3A_3 : i32
    %dma_start3A = arith.constant 0 : i32
    %dma_start3A_5 = tpu.memref_slice %arg3[%add3A_4, %dma_start3A] : memref<8192x1024xf32, #tpu.memory_space<hbm>> -> memref<32x1024xf32, #tpu.memory_space<hbm>>
    %dma_start3A_6 = arith.constant 0 : i32
    %dma_start3A_7 = tpu.memref_slice %arg3[%add3A_4, %dma_start3A_6] : memref<8192x1024xf32, #tpu.memory_space<hbm>> -> memref<32x1024xf32, #tpu.memory_space<hbm>>
    tpu.enqueue_dma source(%dma_start3A_7 : memref<32x1024xf32, #tpu.memory_space<hbm>>) target(%arg7 : memref<32x1024xf32, #tpu.memory_space<vmem>>) target_semaphore(%arg12 : memref<!tpu.dma_semaphore, #tpu.memory_space<semaphore_mem>>)
    %add3A_8 = arith.constant 0 : i32
    %add3A_9 = arith.addi %mul3A_2, %add3A_8 : i32
    %dma_start3A_10 = arith.constant 0 : i32
    %dma_start3A_11 = arith.constant 0 : i32
    %dma_start3A_12 = tpu.memref_slice %arg2[%dma_start3A_10, %add3A_9, %dma_start3A_11] : memref<4x4096x1024xf32, #tpu.memory_space<hbm>> -> memref<1x32x1024xf32, #tpu.memory_space<hbm>>
    %dma_start3A_13 = tpu.memref_squeeze %dma_start3A_12 : memref<1x32x1024xf32, #tpu.memory_space<hbm>> -> memref<32x1024xf32, #tpu.memory_space<hbm>>
    %dma_start3A_14 = arith.constant 0 : i32
    %dma_start3A_15 = tpu.memref_slice %arg2[%dma_start3A_10, %add3A_9, %dma_start3A_14] : memref<4x4096x1024xf32, #tpu.memory_space<hbm>> -> memref<1x32x1024xf32, #tpu.memory_space<hbm>>
    %dma_start3A_16 = tpu.memref_squeeze %dma_start3A_15 : memref<1x32x1024xf32, #tpu.memory_space<hbm>> -> memref<32x1024xf32, #tpu.memory_space<hbm>>
    tpu.enqueue_dma source(%dma_start3A_16 : memref<32x1024xf32, #tpu.memory_space<hbm>>) target(%arg5 : memref<32x1024xf32, #tpu.memory_space<vmem>>) target_semaphore(%arg8 : memref<!tpu.dma_semaphore, #tpu.memory_space<semaphore_mem>>)
    %dma_wait3A = arith.constant 0 : i32
    %dma_wait3A_17 = tpu.memref_slice %arg3[%add3A_4, %dma_wait3A] : memref<8192x1024xf32, #tpu.memory_space<hbm>> -> memref<32x1024xf32, #tpu.memory_space<hbm>>
    %dma_wait3A_18 = arith.constant 0 : i32
    %dma_wait3A_19 = tpu.memref_slice %arg3[%add3A_4, %dma_wait3A_18] : memref<8192x1024xf32, #tpu.memory_space<hbm>> -> memref<32x1024xf32, #tpu.memory_space<hbm>>
    tpu.wait_dma2 semaphore(%arg12 : memref<!tpu.dma_semaphore, #tpu.memory_space<semaphore_mem>>) src(%dma_wait3A_19 : memref<32x1024xf32, #tpu.memory_space<hbm>>) dst(%arg7 : memref<32x1024xf32, #tpu.memory_space<vmem>>)
    %dma_wait3A_20 = arith.constant 0 : i32
    %dma_wait3A_21 = arith.constant 0 : i32
    %dma_wait3A_22 = tpu.memref_slice %arg2[%dma_wait3A_20, %add3A_9, %dma_wait3A_21] : memref<4x4096x1024xf32, #tpu.memory_space<hbm>> -> memref<1x32x1024xf32, #tpu.memory_space<hbm>>
    %dma_wait3A_23 = tpu.memref_squeeze %dma_wait3A_22 : memref<1x32x1024xf32, #tpu.memory_space<hbm>> -> memref<32x1024xf32, #tpu.memory_space<hbm>>
    %dma_wait3A_24 = arith.constant 0 : i32
    %dma_wait3A_25 = tpu.memref_slice %arg2[%dma_wait3A_20, %add3A_9, %dma_wait3A_24] : memref<4x4096x1024xf32, #tpu.memory_space<hbm>> -> memref<1x32x1024xf32, #tpu.memory_space<hbm>>
    %dma_wait3A_26 = tpu.memref_squeeze %dma_wait3A_25 : memref<1x32x1024xf32, #tpu.memory_space<hbm>> -> memref<32x1024xf32, #tpu.memory_space<hbm>>
    tpu.wait_dma2 semaphore(%arg8 : memref<!tpu.dma_semaphore, #tpu.memory_space<semaphore_mem>>) src(%dma_wait3A_26 : memref<32x1024xf32, #tpu.memory_space<hbm>>) dst(%arg5 : memref<32x1024xf32, #tpu.memory_space<vmem>>)
    %add3A_27 = arith.constant 0 : i32
    %add3A_28 = arith.addi %mul3A_2, %add3A_27 : i32
    %dma_start3A_29 = arith.constant 1 : i32
    %dma_start3A_30 = arith.constant 0 : i32
    %dma_start3A_31 = tpu.memref_slice %arg2[%dma_start3A_29, %add3A_28, %dma_start3A_30] : memref<4x4096x1024xf32, #tpu.memory_space<hbm>> -> memref<1x32x1024xf32, #tpu.memory_space<hbm>>
    %dma_start3A_32 = tpu.memref_squeeze %dma_start3A_31 : memref<1x32x1024xf32, #tpu.memory_space<hbm>> -> memref<32x1024xf32, #tpu.memory_space<hbm>>
    %dma_start3A_33 = arith.constant 0 : i32
    %dma_start3A_34 = tpu.memref_slice %arg2[%dma_start3A_29, %add3A_28, %dma_start3A_33] : memref<4x4096x1024xf32, #tpu.memory_space<hbm>> -> memref<1x32x1024xf32, #tpu.memory_space<hbm>>
    %dma_start3A_35 = tpu.memref_squeeze %dma_start3A_34 : memref<1x32x1024xf32, #tpu.memory_space<hbm>> -> memref<32x1024xf32, #tpu.memory_space<hbm>>
    tpu.enqueue_dma source(%dma_start3A_35 : memref<32x1024xf32, #tpu.memory_space<hbm>>) target(%arg6 : memref<32x1024xf32, #tpu.memory_space<vmem>>) target_semaphore(%arg9 : memref<!tpu.dma_semaphore, #tpu.memory_space<semaphore_mem>>)
    %parallel_loop3A = arith.constant 0 : i32
    %parallel_loop3A_36 = arith.constant 32768 : i32
    %parallel_loop3A_37 = arith.constant 16 : i32
    scf.for %parallel_loop3A_600 = %parallel_loop3A to %parallel_loop3A_36 step %parallel_loop3A_37  : i32 {
      %parallel_loop3A_601 = arith.constant 10 : i32
      %parallel_loop3A_602 = arith.shrui %parallel_loop3A_600, %parallel_loop3A_601 : i32
      %parallel_loop3A_603 = arith.constant 1023 : i32
      %parallel_loop3A_604 = arith.andi %parallel_loop3A_600, %parallel_loop3A_603 : i32
      %parallel_loop3A_605 = tpu.assume_multiple %parallel_loop3A_604, 16 : i32
      %parallel_loop3A_606 = arith.index_cast %parallel_loop3A_602 : i32 to index
      %parallel_loop3A_607 = arith.index_cast %parallel_loop3A_605 : i32 to index
      %parallel_loop3A_608 = tpu.vector_load %arg7[%parallel_loop3A_606, %parallel_loop3A_607] {strides = array<i32>} : memref<32x1024xf32, #tpu.memory_space<vmem>>, vector<1x16xf32>,
      %parallel_loop3A_609 = vector.shape_cast %parallel_loop3A_608 : vector<1x16xf32> to vector<16xf32>
      %parallel_loop3A_610 = arith.index_cast %parallel_loop3A_602 : i32 to index
      %parallel_loop3A_611 = arith.index_cast %parallel_loop3A_605 : i32 to index
      %parallel_loop3A_612 = tpu.vector_load %arg5[%parallel_loop3A_610, %parallel_loop3A_611] {strides = array<i32>} : memref<32x1024xf32, #tpu.memory_space<vmem>>, vector<1x16xf32>,
      %parallel_loop3A_613 = vector.shape_cast %parallel_loop3A_612 : vector<1x16xf32> to vector<16xf32>
      %parallel_loop3A_614 = vector.shape_cast %parallel_loop3A_609 : vector<16xf32> to vector<1x16xf32>
      tpu.vector_store %arg5[%parallel_loop3A_610, %parallel_loop3A_611], %parallel_loop3A_614 {add = true, strides = array<i32>} : memref<32x1024xf32, #tpu.memory_space<vmem>>, vector<1x16xf32>,
    } {sc.loop_unroll_factor = 8 : i64, sc.parallel_access}
    %add3A_38 = arith.constant 0 : i32
    %add3A_39 = arith.addi %mul3A_2, %add3A_38 : i32
    %dma_start3A_40 = arith.constant 0 : i32
    %dma_start3A_41 = arith.constant 0 : i32
    %dma_start3A_42 = tpu.memref_slice %arg4[%dma_start3A_40, %add3A_39, %dma_start3A_41] : memref<4x4096x1024xf32, #tpu.memory_space<hbm>> -> memref<1x32x1024xf32, #tpu.memory_space<hbm>>
    %dma_start3A_43 = tpu.memref_squeeze %dma_start3A_42 : memref<1x32x1024xf32, #tpu.memory_space<hbm>> -> memref<32x1024xf32, #tpu.memory_space<hbm>>
    %dma_start3A_44 = arith.constant 0 : i32
    %dma_start3A_45 = tpu.memref_slice %arg4[%dma_start3A_40, %add3A_39, %dma_start3A_44] : memref<4x4096x1024xf32, #tpu.memory_space<hbm>> -> memref<1x32x1024xf32, #tpu.memory_space<hbm>>
    %dma_start3A_46 = tpu.memref_squeeze %dma_start3A_45 : memref<1x32x1024xf32, #tpu.memory_space<hbm>> -> memref<32x1024xf32, #tpu.memory_space<hbm>>
    tpu.enqueue_dma source(%arg5 : memref<32x1024xf32, #tpu.memory_space<vmem>>) target(%dma_start3A_46 : memref<32x1024xf32, #tpu.memory_space<hbm>>) target_semaphore(%arg10 : memref<!tpu.dma_semaphore, #tpu.memory_space<semaphore_mem>>)
    %dma_wait3A_47 = arith.constant 1 : i32
    %dma_wait3A_48 = arith.constant 0 : i32
    %dma_wait3A_49 = tpu.memref_slice %arg2[%dma_wait3A_47, %add3A_28, %dma_wait3A_48] : memref<4x4096x1024xf32, #tpu.memory_space<hbm>> -> memref<1x32x1024xf32, #tpu.memory_space<hbm>>
    %dma_wait3A_50 = tpu.memref_squeeze %dma_wait3A_49 : memref<1x32x1024xf32, #tpu.memory_space<hbm>> -> memref<32x1024xf32, #tpu.memory_space<hbm>>
    %dma_wait3A_51 = arith.constant 0 : i32
    %dma_wait3A_52 = tpu.memref_slice %arg2[%dma_wait3A_47, %add3A_28, %dma_wait3A_51] : memref<4x4096x1024xf32, #tpu.memory_space<hbm>> -> memref<1x32x1024xf32, #tpu.memory_space<hbm>>
    %dma_wait3A_53 = tpu.memref_squeeze %dma_wait3A_52 : memref<1x32x1024xf32, #tpu.memory_space<hbm>> -> memref<32x1024xf32, #tpu.memory_space<hbm>>
    tpu.wait_dma2 semaphore(%arg9 : memref<!tpu.dma_semaphore, #tpu.memory_space<semaphore_mem>>) src(%dma_wait3A_53 : memref<32x1024xf32, #tpu.memory_space<hbm>>) dst(%arg6 : memref<32x1024xf32, #tpu.memory_space<vmem>>)
    %dma_wait3A_54 = arith.constant 0 : i32
    %dma_wait3A_55 = arith.constant 0 : i32
    %dma_wait3A_56 = tpu.memref_slice %arg4[%dma_wait3A_54, %add3A_39, %dma_wait3A_55] : memref<4x4096x1024xf32, #tpu.memory_space<hbm>> -> memref<1x32x1024xf32, #tpu.memory_space<hbm>>
    %dma_wait3A_57 = tpu.memref_squeeze %dma_wait3A_56 : memref<1x32x1024xf32, #tpu.memory_space<hbm>> -> memref<32x1024xf32, #tpu.memory_space<hbm>>
    %dma_wait3A_58 = arith.constant 0 : i32
    %dma_wait3A_59 = tpu.memref_slice %arg4[%dma_wait3A_54, %add3A_39, %dma_wait3A_58] : memref<4x4096x1024xf32, #tpu.memory_space<hbm>> -> memref<1x32x1024xf32, #tpu.memory_space<hbm>>
    %dma_wait3A_60 = tpu.memref_squeeze %dma_wait3A_59 : memref<1x32x1024xf32, #tpu.memory_space<hbm>> -> memref<32x1024xf32, #tpu.memory_space<hbm>>
    tpu.wait_dma2 semaphore(%arg10 : memref<!tpu.dma_semaphore, #tpu.memory_space<semaphore_mem>>) src(%arg5 : memref<32x1024xf32, #tpu.memory_space<vmem>>) dst(%dma_wait3A_60 : memref<32x1024xf32, #tpu.memory_space<hbm>>)
    %add3A_61 = arith.constant 0 : i32
    %add3A_62 = arith.addi %mul3A_2, %add3A_61 : i32
    %dma_start3A_63 = arith.constant 2 : i32
    %dma_start3A_64 = arith.constant 0 : i32
    %dma_start3A_65 = tpu.memref_slice %arg2[%dma_start3A_63, %add3A_62, %dma_start3A_64] : memref<4x4096x1024xf32, #tpu.memory_space<hbm>> -> memref<1x32x1024xf32, #tpu.memory_space<hbm>>
    %dma_start3A_66 = tpu.memref_squeeze %dma_start3A_65 : memref<1x32x1024xf32, #tpu.memory_space<hbm>> -> memref<32x1024xf32, #tpu.memory_space<hbm>>
    %dma_start3A_67 = arith.constant 0 : i32
    %dma_start3A_68 = tpu.memref_slice %arg2[%dma_start3A_63, %add3A_62, %dma_start3A_67] : memref<4x4096x1024xf32, #tpu.memory_space<hbm>> -> memref<1x32x1024xf32, #tpu.memory_space<hbm>>
    %dma_start3A_69 = tpu.memref_squeeze %dma_start3A_68 : memref<1x32x1024xf32, #tpu.memory_space<hbm>> -> memref<32x1024xf32, #tpu.memory_space<hbm>>
    tpu.enqueue_dma source(%dma_start3A_69 : memref<32x1024xf32, #tpu.memory_space<hbm>>) target(%arg5 : memref<32x1024xf32, #tpu.memory_space<vmem>>) target_semaphore(%arg8 : memref<!tpu.dma_semaphore, #tpu.memory_space<semaphore_mem>>)
    %parallel_loop3A_70 = arith.constant 0 : i32
    %parallel_loop3A_71 = arith.constant 32768 : i32
    %parallel_loop3A_72 = arith.constant 16 : i32
    scf.for %parallel_loop3A_600 = %parallel_loop3A_70 to %parallel_loop3A_71 step %parallel_loop3A_72  : i32 {
      %parallel_loop3A_601 = arith.constant 10 : i32
      %parallel_loop3A_602 = arith.shrui %parallel_loop3A_600, %parallel_loop3A_601 : i32
      %parallel_loop3A_603 = arith.constant 1023 : i32
      %parallel_loop3A_604 = arith.andi %parallel_loop3A_600, %parallel_loop3A_603 : i32
      %parallel_loop3A_605 = tpu.assume_multiple %parallel_loop3A_604, 16 : i32
      %parallel_loop3A_606 = arith.index_cast %parallel_loop3A_602 : i32 to index
      %parallel_loop3A_607 = arith.index_cast %parallel_loop3A_605 : i32 to index
      %parallel_loop3A_608 = tpu.vector_load %arg7[%parallel_loop3A_606, %parallel_loop3A_607] {strides = array<i32>} : memref<32x1024xf32, #tpu.memory_space<vmem>>, vector<1x16xf32>,
      %parallel_loop3A_609 = vector.shape_cast %parallel_loop3A_608 : vector<1x16xf32> to vector<16xf32>
      %parallel_loop3A_610 = arith.index_cast %parallel_loop3A_602 : i32 to index
      %parallel_loop3A_611 = arith.index_cast %parallel_loop3A_605 : i32 to index
      %parallel_loop3A_612 = tpu.vector_load %arg6[%parallel_loop3A_610, %parallel_loop3A_611] {strides = array<i32>} : memref<32x1024xf32, #tpu.memory_space<vmem>>, vector<1x16xf32>,
      %parallel_loop3A_613 = vector.shape_cast %parallel_loop3A_612 : vector<1x16xf32> to vector<16xf32>
      %parallel_loop3A_614 = vector.shape_cast %parallel_loop3A_609 : vector<16xf32> to vector<1x16xf32>
      tpu.vector_store %arg6[%parallel_loop3A_610, %parallel_loop3A_611], %parallel_loop3A_614 {add = true, strides = array<i32>} : memref<32x1024xf32, #tpu.memory_space<vmem>>, vector<1x16xf32>,
    } {sc.loop_unroll_factor = 8 : i64, sc.parallel_access}
    %add3A_73 = arith.constant 0 : i32
    %add3A_74 = arith.addi %mul3A_2, %add3A_73 : i32
    %dma_start3A_75 = arith.constant 1 : i32
    %dma_start3A_76 = arith.constant 0 : i32
    %dma_start3A_77 = tpu.memref_slice %arg4[%dma_start3A_75, %add3A_74, %dma_start3A_76] : memref<4x4096x1024xf32, #tpu.memory_space<hbm>> -> memref<1x32x1024xf32, #tpu.memory_space<hbm>>
    %dma_start3A_78 = tpu.memref_squeeze %dma_start3A_77 : memref<1x32x1024xf32, #tpu.memory_space<hbm>> -> memref<32x1024xf32, #tpu.memory_space<hbm>>
    %dma_start3A_79 = arith.constant 0 : i32
    %dma_start3A_80 = tpu.memref_slice %arg4[%dma_start3A_75, %add3A_74, %dma_start3A_79] : memref<4x4096x1024xf32, #tpu.memory_space<hbm>> -> memref<1x32x1024xf32, #tpu.memory_space<hbm>>
    %dma_start3A_81 = tpu.memref_squeeze %dma_start3A_80 : memref<1x32x1024xf32, #tpu.memory_space<hbm>> -> memref<32x1024xf32, #tpu.memory_space<hbm>>
    tpu.enqueue_dma source(%arg6 : memref<32x1024xf32, #tpu.memory_space<vmem>>) target(%dma_start3A_81 : memref<32x1024xf32, #tpu.memory_space<hbm>>) target_semaphore(%arg11 : memref<!tpu.dma_semaphore, #tpu.memory_space<semaphore_mem>>)
    %dma_wait3A_82 = arith.constant 2 : i32
    %dma_wait3A_83 = arith.constant 0 : i32
    %dma_wait3A_84 = tpu.memref_slice %arg2[%dma_wait3A_82, %add3A_62, %dma_wait3A_83] : memref<4x4096x1024xf32, #tpu.memory_space<hbm>> -> memref<1x32x1024xf32, #tpu.memory_space<hbm>>
    %dma_wait3A_85 = tpu.memref_squeeze %dma_wait3A_84 : memref<1x32x1024xf32, #tpu.memory_space<hbm>> -> memref<32x1024xf32, #tpu.memory_space<hbm>>
    %dma_wait3A_86 = arith.constant 0 : i32
    %dma_wait3A_87 = tpu.memref_slice %arg2[%dma_wait3A_82, %add3A_62, %dma_wait3A_86] : memref<4x4096x1024xf32, #tpu.memory_space<hbm>> -> memref<1x32x1024xf32, #tpu.memory_space<hbm>>
    %dma_wait3A_88 = tpu.memref_squeeze %dma_wait3A_87 : memref<1x32x1024xf32, #tpu.memory_space<hbm>> -> memref<32x1024xf32, #tpu.memory_space<hbm>>
    tpu.wait_dma2 semaphore(%arg8 : memref<!tpu.dma_semaphore, #tpu.memory_space<semaphore_mem>>) src(%dma_wait3A_88 : memref<32x1024xf32, #tpu.memory_space<hbm>>) dst(%arg5 : memref<32x1024xf32, #tpu.memory_space<vmem>>)
    %dma_wait3A_89 = arith.constant 1 : i32
    %dma_wait3A_90 = arith.constant 0 : i32
    %dma_wait3A_91 = tpu.memref_slice %arg4[%dma_wait3A_89, %add3A_74, %dma_wait3A_90] : memref<4x4096x1024xf32, #tpu.memory_space<hbm>> -> memref<1x32x1024xf32, #tpu.memory_space<hbm>>
    %dma_wait3A_92 = tpu.memref_squeeze %dma_wait3A_91 : memref<1x32x1024xf32, #tpu.memory_space<hbm>> -> memref<32x1024xf32, #tpu.memory_space<hbm>>
    %dma_wait3A_93 = arith.constant 0 : i32
    %dma_wait3A_94 = tpu.memref_slice %arg4[%dma_wait3A_89, %add3A_74, %dma_wait3A_93] : memref<4x4096x1024xf32, #tpu.memory_space<hbm>> -> memref<1x32x1024xf32, #tpu.memory_space<hbm>>
    %dma_wait3A_95 = tpu.memref_squeeze %dma_wait3A_94 : memref<1x32x1024xf32, #tpu.memory_space<hbm>> -> memref<32x1024xf32, #tpu.memory_space<hbm>>
    tpu.wait_dma2 semaphore(%arg11 : memref<!tpu.dma_semaphore, #tpu.memory_space<semaphore_mem>>) src(%arg6 : memref<32x1024xf32, #tpu.memory_space<vmem>>) dst(%dma_wait3A_95 : memref<32x1024xf32, #tpu.memory_space<hbm>>)
    %add3A_96 = arith.constant 0 : i32
    %add3A_97 = arith.addi %mul3A_2, %add3A_96 : i32
    %dma_start3A_98 = arith.constant 3 : i32
    %dma_start3A_99 = arith.constant 0 : i32
    %dma_start3A_100 = tpu.memref_slice %arg2[%dma_start3A_98, %add3A_97, %dma_start3A_99] : memref<4x4096x1024xf32, #tpu.memory_space<hbm>> -> memref<1x32x1024xf32, #tpu.memory_space<hbm>>
    %dma_start3A_101 = tpu.memref_squeeze %dma_start3A_100 : memref<1x32x1024xf32, #tpu.memory_space<hbm>> -> memref<32x1024xf32, #tpu.memory_space<hbm>>
    %dma_start3A_102 = arith.constant 0 : i32
    %dma_start3A_103 = tpu.memref_slice %arg2[%dma_start3A_98, %add3A_97, %dma_start3A_102] : memref<4x4096x1024xf32, #tpu.memory_space<hbm>> -> memref<1x32x1024xf32, #tpu.memory_space<hbm>>
    %dma_start3A_104 = tpu.memref_squeeze %dma_start3A_103 : memref<1x32x1024xf32, #tpu.memory_space<hbm>> -> memref<32x1024xf32, #tpu.memory_space<hbm>>
    tpu.enqueue_dma source(%dma_start3A_104 : memref<32x1024xf32, #tpu.memory_space<hbm>>) target(%arg6 : memref<32x1024xf32, #tpu.memory_space<vmem>>) target_semaphore(%arg9 : memref<!tpu.dma_semaphore, #tpu.memory_space<semaphore_mem>>)
    %parallel_loop3A_105 = arith.constant 0 : i32
    %parallel_loop3A_106 = arith.constant 32768 : i32
    %parallel_loop3A_107 = arith.constant 16 : i32
    scf.for %parallel_loop3A_600 = %parallel_loop3A_105 to %parallel_loop3A_106 step %parallel_loop3A_107  : i32 {
      %parallel_loop3A_601 = arith.constant 10 : i32
      %parallel_loop3A_602 = arith.shrui %parallel_loop3A_600, %parallel_loop3A_601 : i32
      %parallel_loop3A_603 = arith.constant 1023 : i32
      %parallel_loop3A_604 = arith.andi %parallel_loop3A_600, %parallel_loop3A_603 : i32
      %parallel_loop3A_605 = tpu.assume_multiple %parallel_loop3A_604, 16 : i32
      %parallel_loop3A_606 = arith.index_cast %parallel_loop3A_602 : i32 to index
      %parallel_loop3A_607 = arith.index_cast %parallel_loop3A_605 : i32 to index
      %parallel_loop3A_608 = tpu.vector_load %arg7[%parallel_loop3A_606, %parallel_loop3A_607] {strides = array<i32>} : memref<32x1024xf32, #tpu.memory_space<vmem>>, vector<1x16xf32>,
      %parallel_loop3A_609 = vector.shape_cast %parallel_loop3A_608 : vector<1x16xf32> to vector<16xf32>
      %parallel_loop3A_610 = arith.index_cast %parallel_loop3A_602 : i32 to index
      %parallel_loop3A_611 = arith.index_cast %parallel_loop3A_605 : i32 to index
      %parallel_loop3A_612 = tpu.vector_load %arg5[%parallel_loop3A_610, %parallel_loop3A_611] {strides = array<i32>} : memref<32x1024xf32, #tpu.memory_space<vmem>>, vector<1x16xf32>,
      %parallel_loop3A_613 = vector.shape_cast %parallel_loop3A_612 : vector<1x16xf32> to vector<16xf32>
      %parallel_loop3A_614 = vector.shape_cast %parallel_loop3A_609 : vector<16xf32> to vector<1x16xf32>
      tpu.vector_store %arg5[%parallel_loop3A_610, %parallel_loop3A_611], %parallel_loop3A_614 {add = true, strides = array<i32>} : memref<32x1024xf32, #tpu.memory_space<vmem>>, vector<1x16xf32>,
    } {sc.loop_unroll_factor = 8 : i64, sc.parallel_access}
    %add3A_108 = arith.constant 0 : i32
    %add3A_109 = arith.addi %mul3A_2, %add3A_108 : i32
    %dma_start3A_110 = arith.constant 2 : i32
    %dma_start3A_111 = arith.constant 0 : i32
    %dma_start3A_112 = tpu.memref_slice %arg4[%dma_start3A_110, %add3A_109, %dma_start3A_111] : memref<4x4096x1024xf32, #tpu.memory_space<hbm>> -> memref<1x32x1024xf32, #tpu.memory_space<hbm>>
    %dma_start3A_113 = tpu.memref_squeeze %dma_start3A_112 : memref<1x32x1024xf32, #tpu.memory_space<hbm>> -> memref<32x1024xf32, #tpu.memory_space<hbm>>
    %dma_start3A_114 = arith.constant 0 : i32
    %dma_start3A_115 = tpu.memref_slice %arg4[%dma_start3A_110, %add3A_109, %dma_start3A_114] : memref<4x4096x1024xf32, #tpu.memory_space<hbm>> -> memref<1x32x1024xf32, #tpu.memory_space<hbm>>
    %dma_start3A_116 = tpu.memref_squeeze %dma_start3A_115 : memref<1x32x1024xf32, #tpu.memory_space<hbm>> -> memref<32x1024xf32, #tpu.memory_space<hbm>>
    tpu.enqueue_dma source(%arg5 : memref<32x1024xf32, #tpu.memory_space<vmem>>) target(%dma_start3A_116 : memref<32x1024xf32, #tpu.memory_space<hbm>>) target_semaphore(%arg10 : memref<!tpu.dma_semaphore, #tpu.memory_space<semaphore_mem>>)
    %dma_wait3A_117 = arith.constant 3 : i32
    %dma_wait3A_118 = arith.constant 0 : i32
    %dma_wait3A_119 = tpu.memref_slice %arg2[%dma_wait3A_117, %add3A_97, %dma_wait3A_118] : memref<4x4096x1024xf32, #tpu.memory_space<hbm>> -> memref<1x32x1024xf32, #tpu.memory_space<hbm>>
    %dma_wait3A_120 = tpu.memref_squeeze %dma_wait3A_119 : memref<1x32x1024xf32, #tpu.memory_space<hbm>> -> memref<32x1024xf32, #tpu.memory_space<hbm>>
    %dma_wait3A_121 = arith.constant 0 : i32
    %dma_wait3A_122 = tpu.memref_slice %arg2[%dma_wait3A_117, %add3A_97, %dma_wait3A_121] : memref<4x4096x1024xf32, #tpu.memory_space<hbm>> -> memref<1x32x1024xf32, #tpu.memory_space<hbm>>
    %dma_wait3A_123 = tpu.memref_squeeze %dma_wait3A_122 : memref<1x32x1024xf32, #tpu.memory_space<hbm>> -> memref<32x1024xf32, #tpu.memory_space<hbm>>
    tpu.wait_dma2 semaphore(%arg9 : memref<!tpu.dma_semaphore, #tpu.memory_space<semaphore_mem>>) src(%dma_wait3A_123 : memref<32x1024xf32, #tpu.memory_space<hbm>>) dst(%arg6 : memref<32x1024xf32, #tpu.memory_space<vmem>>)
    %dma_wait3A_124 = arith.constant 2 : i32
    %dma_wait3A_125 = arith.constant 0 : i32
    %dma_wait3A_126 = tpu.memref_slice %arg4[%dma_wait3A_124, %add3A_109, %dma_wait3A_125] : memref<4x4096x1024xf32, #tpu.memory_space<hbm>> -> memref<1x32x1024xf32, #tpu.memory_space<hbm>>
    %dma_wait3A_127 = tpu.memref_squeeze %dma_wait3A_126 : memref<1x32x1024xf32, #tpu.memory_space<hbm>> -> memref<32x1024xf32, #tpu.memory_space<hbm>>
    %dma_wait3A_128 = arith.constant 0 : i32
    %dma_wait3A_129 = tpu.memref_slice %arg4[%dma_wait3A_124, %add3A_109, %dma_wait3A_128] : memref<4x4096x1024xf32, #tpu.memory_space<hbm>> -> memref<1x32x1024xf32, #tpu.memory_space<hbm>>
    %dma_wait3A_130 = tpu.memref_squeeze %dma_wait3A_129 : memref<1x32x1024xf32, #tpu.memory_space<hbm>> -> memref<32x1024xf32, #tpu.memory_space<hbm>>
    tpu.wait_dma2 semaphore(%arg10 : memref<!tpu.dma_semaphore, #tpu.memory_space<semaphore_mem>>) src(%arg5 : memref<32x1024xf32, #tpu.memory_space<vmem>>) dst(%dma_wait3A_130 : memref<32x1024xf32, #tpu.memory_space<hbm>>)
    %add3A_131 = arith.constant 32 : i32
    %add3A_132 = arith.addi %mul3A_2, %add3A_131 : i32
    %dma_start3A_133 = arith.constant 0 : i32
    %dma_start3A_134 = arith.constant 0 : i32
    %dma_start3A_135 = tpu.memref_slice %arg2[%dma_start3A_133, %add3A_132, %dma_start3A_134] : memref<4x4096x1024xf32, #tpu.memory_space<hbm>> -> memref<1x32x1024xf32, #tpu.memory_space<hbm>>
    %dma_start3A_136 = tpu.memref_squeeze %dma_start3A_135 : memref<1x32x1024xf32, #tpu.memory_space<hbm>> -> memref<32x1024xf32, #tpu.memory_space<hbm>>
    %dma_start3A_137 = arith.constant 0 : i32
    %dma_start3A_138 = tpu.memref_slice %arg2[%dma_start3A_133, %add3A_132, %dma_start3A_137] : memref<4x4096x1024xf32, #tpu.memory_space<hbm>> -> memref<1x32x1024xf32, #tpu.memory_space<hbm>>
    %dma_start3A_139 = tpu.memref_squeeze %dma_start3A_138 : memref<1x32x1024xf32, #tpu.memory_space<hbm>> -> memref<32x1024xf32, #tpu.memory_space<hbm>>
    tpu.enqueue_dma source(%dma_start3A_139 : memref<32x1024xf32, #tpu.memory_space<hbm>>) target(%arg5 : memref<32x1024xf32, #tpu.memory_space<vmem>>) target_semaphore(%arg8 : memref<!tpu.dma_semaphore, #tpu.memory_space<semaphore_mem>>)
    %parallel_loop3A_140 = arith.constant 0 : i32
    %parallel_loop3A_141 = arith.constant 32768 : i32
    %parallel_loop3A_142 = arith.constant 16 : i32
    scf.for %parallel_loop3A_600 = %parallel_loop3A_140 to %parallel_loop3A_141 step %parallel_loop3A_142  : i32 {
      %parallel_loop3A_601 = arith.constant 10 : i32
      %parallel_loop3A_602 = arith.shrui %parallel_loop3A_600, %parallel_loop3A_601 : i32
      %parallel_loop3A_603 = arith.constant 1023 : i32
      %parallel_loop3A_604 = arith.andi %parallel_loop3A_600, %parallel_loop3A_603 : i32
      %parallel_loop3A_605 = tpu.assume_multiple %parallel_loop3A_604, 16 : i32
      %parallel_loop3A_606 = arith.index_cast %parallel_loop3A_602 : i32 to index
      %parallel_loop3A_607 = arith.index_cast %parallel_loop3A_605 : i32 to index
      %parallel_loop3A_608 = tpu.vector_load %arg7[%parallel_loop3A_606, %parallel_loop3A_607] {strides = array<i32>} : memref<32x1024xf32, #tpu.memory_space<vmem>>, vector<1x16xf32>,
      %parallel_loop3A_609 = vector.shape_cast %parallel_loop3A_608 : vector<1x16xf32> to vector<16xf32>
      %parallel_loop3A_610 = arith.index_cast %parallel_loop3A_602 : i32 to index
      %parallel_loop3A_611 = arith.index_cast %parallel_loop3A_605 : i32 to index
      %parallel_loop3A_612 = tpu.vector_load %arg6[%parallel_loop3A_610, %parallel_loop3A_611] {strides = array<i32>} : memref<32x1024xf32, #tpu.memory_space<vmem>>, vector<1x16xf32>,
      %parallel_loop3A_613 = vector.shape_cast %parallel_loop3A_612 : vector<1x16xf32> to vector<16xf32>
      %parallel_loop3A_614 = vector.shape_cast %parallel_loop3A_609 : vector<16xf32> to vector<1x16xf32>
      tpu.vector_store %arg6[%parallel_loop3A_610, %parallel_loop3A_611], %parallel_loop3A_614 {add = true, strides = array<i32>} : memref<32x1024xf32, #tpu.memory_space<vmem>>, vector<1x16xf32>,
    } {sc.loop_unroll_factor = 8 : i64, sc.parallel_access}
    %add3A_143 = arith.constant 32 : i32
    %add3A_144 = arith.addi %mul3A_2, %add3A_143 : i32
    %dma_start3A_145 = arith.constant 0 : i32
    %dma_start3A_146 = tpu.memref_slice %arg3[%add3A_144, %dma_start3A_145] : memref<8192x1024xf32, #tpu.memory_space<hbm>> -> memref<32x1024xf32, #tpu.memory_space<hbm>>
    %dma_start3A_147 = arith.constant 0 : i32
    %dma_start3A_148 = tpu.memref_slice %arg3[%add3A_144, %dma_start3A_147] : memref<8192x1024xf32, #tpu.memory_space<hbm>> -> memref<32x1024xf32, #tpu.memory_space<hbm>>
    tpu.enqueue_dma source(%dma_start3A_148 : memref<32x1024xf32, #tpu.memory_space<hbm>>) target(%arg7 : memref<32x1024xf32, #tpu.memory_space<vmem>>) target_semaphore(%arg12 : memref<!tpu.dma_semaphore, #tpu.memory_space<semaphore_mem>>)
    %add3A_149 = arith.constant 0 : i32
    %add3A_150 = arith.addi %mul3A_2, %add3A_149 : i32
    %dma_start3A_151 = arith.constant 3 : i32
    %dma_start3A_152 = arith.constant 0 : i32
    %dma_start3A_153 = tpu.memref_slice %arg4[%dma_start3A_151, %add3A_150, %dma_start3A_152] : memref<4x4096x1024xf32, #tpu.memory_space<hbm>> -> memref<1x32x1024xf32, #tpu.memory_space<hbm>>
    %dma_start3A_154 = tpu.memref_squeeze %dma_start3A_153 : memref<1x32x1024xf32, #tpu.memory_space<hbm>> -> memref<32x1024xf32, #tpu.memory_space<hbm>>
    %dma_start3A_155 = arith.constant 0 : i32
    %dma_start3A_156 = tpu.memref_slice %arg4[%dma_start3A_151, %add3A_150, %dma_start3A_155] : memref<4x4096x1024xf32, #tpu.memory_space<hbm>> -> memref<1x32x1024xf32, #tpu.memory_space<hbm>>
    %dma_start3A_157 = tpu.memref_squeeze %dma_start3A_156 : memref<1x32x1024xf32, #tpu.memory_space<hbm>> -> memref<32x1024xf32, #tpu.memory_space<hbm>>
    tpu.enqueue_dma source(%arg6 : memref<32x1024xf32, #tpu.memory_space<vmem>>) target(%dma_start3A_157 : memref<32x1024xf32, #tpu.memory_space<hbm>>) target_semaphore(%arg11 : memref<!tpu.dma_semaphore, #tpu.memory_space<semaphore_mem>>)
    %dma_wait3A_158 = arith.constant 0 : i32
    %dma_wait3A_159 = tpu.memref_slice %arg3[%add3A_144, %dma_wait3A_158] : memref<8192x1024xf32, #tpu.memory_space<hbm>> -> memref<32x1024xf32, #tpu.memory_space<hbm>>
    %dma_wait3A_160 = arith.constant 0 : i32
    %dma_wait3A_161 = tpu.memref_slice %arg3[%add3A_144, %dma_wait3A_160] : memref<8192x1024xf32, #tpu.memory_space<hbm>> -> memref<32x1024xf32, #tpu.memory_space<hbm>>
    tpu.wait_dma2 semaphore(%arg12 : memref<!tpu.dma_semaphore, #tpu.memory_space<semaphore_mem>>) src(%dma_wait3A_161 : memref<32x1024xf32, #tpu.memory_space<hbm>>) dst(%arg7 : memref<32x1024xf32, #tpu.memory_space<vmem>>)
    %dma_wait3A_162 = arith.constant 0 : i32
    %dma_wait3A_163 = arith.constant 0 : i32
    %dma_wait3A_164 = tpu.memref_slice %arg2[%dma_wait3A_162, %add3A_132, %dma_wait3A_163] : memref<4x4096x1024xf32, #tpu.memory_space<hbm>> -> memref<1x32x1024xf32, #tpu.memory_space<hbm>>
    %dma_wait3A_165 = tpu.memref_squeeze %dma_wait3A_164 : memref<1x32x1024xf32, #tpu.memory_space<hbm>> -> memref<32x1024xf32, #tpu.memory_space<hbm>>
    %dma_wait3A_166 = arith.constant 0 : i32
    %dma_wait3A_167 = tpu.memref_slice %arg2[%dma_wait3A_162, %add3A_132, %dma_wait3A_166] : memref<4x4096x1024xf32, #tpu.memory_space<hbm>> -> memref<1x32x1024xf32, #tpu.memory_space<hbm>>
    %dma_wait3A_168 = tpu.memref_squeeze %dma_wait3A_167 : memref<1x32x1024xf32, #tpu.memory_space<hbm>> -> memref<32x1024xf32, #tpu.memory_space<hbm>>
    tpu.wait_dma2 semaphore(%arg8 : memref<!tpu.dma_semaphore, #tpu.memory_space<semaphore_mem>>) src(%dma_wait3A_168 : memref<32x1024xf32, #tpu.memory_space<hbm>>) dst(%arg5 : memref<32x1024xf32, #tpu.memory_space<vmem>>)
    %dma_wait3A_169 = arith.constant 3 : i32
    %dma_wait3A_170 = arith.constant 0 : i32
    %dma_wait3A_171 = tpu.memref_slice %arg4[%dma_wait3A_169, %add3A_150, %dma_wait3A_170] : memref<4x4096x1024xf32, #tpu.memory_space<hbm>> -> memref<1x32x1024xf32, #tpu.memory_space<hbm>>
    %dma_wait3A_172 = tpu.memref_squeeze %dma_wait3A_171 : memref<1x32x1024xf32, #tpu.memory_space<hbm>> -> memref<32x1024xf32, #tpu.memory_space<hbm>>
    %dma_wait3A_173 = arith.constant 0 : i32
    %dma_wait3A_174 = tpu.memref_slice %arg4[%dma_wait3A_169, %add3A_150, %dma_wait3A_173] : memref<4x4096x1024xf32, #tpu.memory_space<hbm>> -> memref<1x32x1024xf32, #tpu.memory_space<hbm>>
    %dma_wait3A_175 = tpu.memref_squeeze %dma_wait3A_174 : memref<1x32x1024xf32, #tpu.memory_space<hbm>> -> memref<32x1024xf32, #tpu.memory_space<hbm>>
    tpu.wait_dma2 semaphore(%arg11 : memref<!tpu.dma_semaphore, #tpu.memory_space<semaphore_mem>>) src(%arg6 : memref<32x1024xf32, #tpu.memory_space<vmem>>) dst(%dma_wait3A_175 : memref<32x1024xf32, #tpu.memory_space<hbm>>)
    %add3A_176 = arith.constant 32 : i32
    %add3A_177 = arith.addi %mul3A_2, %add3A_176 : i32
    %dma_start3A_178 = arith.constant 1 : i32
    %dma_start3A_179 = arith.constant 0 : i32
    %dma_start3A_180 = tpu.memref_slice %arg2[%dma_start3A_178, %add3A_177, %dma_start3A_179] : memref<4x4096x1024xf32, #tpu.memory_space<hbm>> -> memref<1x32x1024xf32, #tpu.memory_space<hbm>>
    %dma_start3A_181 = tpu.memref_squeeze %dma_start3A_180 : memref<1x32x1024xf32, #tpu.memory_space<hbm>> -> memref<32x1024xf32, #tpu.memory_space<hbm>>
    %dma_start3A_182 = arith.constant 0 : i32
    %dma_start3A_183 = tpu.memref_slice %arg2[%dma_start3A_178, %add3A_177, %dma_start3A_182] : memref<4x4096x1024xf32, #tpu.memory_space<hbm>> -> memref<1x32x1024xf32, #tpu.memory_space<hbm>>
    %dma_start3A_184 = tpu.memref_squeeze %dma_start3A_183 : memref<1x32x1024xf32, #tpu.memory_space<hbm>> -> memref<32x1024xf32, #tpu.memory_space<hbm>>
    tpu.enqueue_dma source(%dma_start3A_184 : memref<32x1024xf32, #tpu.memory_space<hbm>>) target(%arg6 : memref<32x1024xf32, #tpu.memory_space<vmem>>) target_semaphore(%arg9 : memref<!tpu.dma_semaphore, #tpu.memory_space<semaphore_mem>>)
    %parallel_loop3A_185 = arith.constant 0 : i32
    %parallel_loop3A_186 = arith.constant 32768 : i32
    %parallel_loop3A_187 = arith.constant 16 : i32
    scf.for %parallel_loop3A_600 = %parallel_loop3A_185 to %parallel_loop3A_186 step %parallel_loop3A_187  : i32 {
      %parallel_loop3A_601 = arith.constant 10 : i32
      %parallel_loop3A_602 = arith.shrui %parallel_loop3A_600, %parallel_loop3A_601 : i32
      %parallel_loop3A_603 = arith.constant 1023 : i32
      %parallel_loop3A_604 = arith.andi %parallel_loop3A_600, %parallel_loop3A_603 : i32
      %parallel_loop3A_605 = tpu.assume_multiple %parallel_loop3A_604, 16 : i32
      %parallel_loop3A_606 = arith.index_cast %parallel_loop3A_602 : i32 to index
      %parallel_loop3A_607 = arith.index_cast %parallel_loop3A_605 : i32 to index
      %parallel_loop3A_608 = tpu.vector_load %arg7[%parallel_loop3A_606, %parallel_loop3A_607] {strides = array<i32>} : memref<32x1024xf32, #tpu.memory_space<vmem>>, vector<1x16xf32>,
      %parallel_loop3A_609 = vector.shape_cast %parallel_loop3A_608 : vector<1x16xf32> to vector<16xf32>
      %parallel_loop3A_610 = arith.index_cast %parallel_loop3A_602 : i32 to index
      %parallel_loop3A_611 = arith.index_cast %parallel_loop3A_605 : i32 to index
      %parallel_loop3A_612 = tpu.vector_load %arg5[%parallel_loop3A_610, %parallel_loop3A_611] {strides = array<i32>} : memref<32x1024xf32, #tpu.memory_space<vmem>>, vector<1x16xf32>,
      %parallel_loop3A_613 = vector.shape_cast %parallel_loop3A_612 : vector<1x16xf32> to vector<16xf32>
      %parallel_loop3A_614 = vector.shape_cast %parallel_loop3A_609 : vector<16xf32> to vector<1x16xf32>
      tpu.vector_store %arg5[%parallel_loop3A_610, %parallel_loop3A_611], %parallel_loop3A_614 {add = true, strides = array<i32>} : memref<32x1024xf32, #tpu.memory_space<vmem>>, vector<1x16xf32>,
    } {sc.loop_unroll_factor = 8 : i64, sc.parallel_access}
    %add3A_188 = arith.constant 32 : i32
    %add3A_189 = arith.addi %mul3A_2, %add3A_188 : i32
    %dma_start3A_190 = arith.constant 0 : i32
    %dma_start3A_191 = arith.constant 0 : i32
    %dma_start3A_192 = tpu.memref_slice %arg4[%dma_start3A_190, %add3A_189, %dma_start3A_191] : memref<4x4096x1024xf32, #tpu.memory_space<hbm>> -> memref<1x32x1024xf32, #tpu.memory_space<hbm>>
    %dma_start3A_193 = tpu.memref_squeeze %dma_start3A_192 : memref<1x32x1024xf32, #tpu.memory_space<hbm>> -> memref<32x1024xf32, #tpu.memory_space<hbm>>
    %dma_start3A_194 = arith.constant 0 : i32
    %dma_start3A_195 = tpu.memref_slice %arg4[%dma_start3A_190, %add3A_189, %dma_start3A_194] : memref<4x4096x1024xf32, #tpu.memory_space<hbm>> -> memref<1x32x1024xf32, #tpu.memory_space<hbm>>
    %dma_start3A_196 = tpu.memref_squeeze %dma_start3A_195 : memref<1x32x1024xf32, #tpu.memory_space<hbm>> -> memref<32x1024xf32, #tpu.memory_space<hbm>>
    tpu.enqueue_dma source(%arg5 : memref<32x1024xf32, #tpu.memory_space<vmem>>) target(%dma_start3A_196 : memref<32x1024xf32, #tpu.memory_space<hbm>>) target_semaphore(%arg10 : memref<!tpu.dma_semaphore, #tpu.memory_space<semaphore_mem>>)
    %dma_wait3A_197 = arith.constant 1 : i32
    %dma_wait3A_198 = arith.constant 0 : i32
    %dma_wait3A_199 = tpu.memref_slice %arg2[%dma_wait3A_197, %add3A_177, %dma_wait3A_198] : memref<4x4096x1024xf32, #tpu.memory_space<hbm>> -> memref<1x32x1024xf32, #tpu.memory_space<hbm>>
    %dma_wait3A_200 = tpu.memref_squeeze %dma_wait3A_199 : memref<1x32x1024xf32, #tpu.memory_space<hbm>> -> memref<32x1024xf32, #tpu.memory_space<hbm>>
    %dma_wait3A_201 = arith.constant 0 : i32
    %dma_wait3A_202 = tpu.memref_slice %arg2[%dma_wait3A_197, %add3A_177, %dma_wait3A_201] : memref<4x4096x1024xf32, #tpu.memory_space<hbm>> -> memref<1x32x1024xf32, #tpu.memory_space<hbm>>
    %dma_wait3A_203 = tpu.memref_squeeze %dma_wait3A_202 : memref<1x32x1024xf32, #tpu.memory_space<hbm>> -> memref<32x1024xf32, #tpu.memory_space<hbm>>
    tpu.wait_dma2 semaphore(%arg9 : memref<!tpu.dma_semaphore, #tpu.memory_space<semaphore_mem>>) src(%dma_wait3A_203 : memref<32x1024xf32, #tpu.memory_space<hbm>>) dst(%arg6 : memref<32x1024xf32, #tpu.memory_space<vmem>>)
    %dma_wait3A_204 = arith.constant 0 : i32
    %dma_wait3A_205 = arith.constant 0 : i32
    %dma_wait3A_206 = tpu.memref_slice %arg4[%dma_wait3A_204, %add3A_189, %dma_wait3A_205] : memref<4x4096x1024xf32, #tpu.memory_space<hbm>> -> memref<1x32x1024xf32, #tpu.memory_space<hbm>>
    %dma_wait3A_207 = tpu.memref_squeeze %dma_wait3A_206 : memref<1x32x1024xf32, #tpu.memory_space<hbm>> -> memref<32x1024xf32, #tpu.memory_space<hbm>>
    %dma_wait3A_208 = arith.constant 0 : i32
    %dma_wait3A_209 = tpu.memref_slice %arg4[%dma_wait3A_204, %add3A_189, %dma_wait3A_208] : memref<4x4096x1024xf32, #tpu.memory_space<hbm>> -> memref<1x32x1024xf32, #tpu.memory_space<hbm>>
    %dma_wait3A_210 = tpu.memref_squeeze %dma_wait3A_209 : memref<1x32x1024xf32, #tpu.memory_space<hbm>> -> memref<32x1024xf32, #tpu.memory_space<hbm>>
    tpu.wait_dma2 semaphore(%arg10 : memref<!tpu.dma_semaphore, #tpu.memory_space<semaphore_mem>>) src(%arg5 : memref<32x1024xf32, #tpu.memory_space<vmem>>) dst(%dma_wait3A_210 : memref<32x1024xf32, #tpu.memory_space<hbm>>)
    %add3A_211 = arith.constant 32 : i32
    %add3A_212 = arith.addi %mul3A_2, %add3A_211 : i32
    %dma_start3A_213 = arith.constant 2 : i32
    %dma_start3A_214 = arith.constant 0 : i32
    %dma_start3A_215 = tpu.memref_slice %arg2[%dma_start3A_213, %add3A_212, %dma_start3A_214] : memref<4x4096x1024xf32, #tpu.memory_space<hbm>> -> memref<1x32x1024xf32, #tpu.memory_space<hbm>>
    %dma_start3A_216 = tpu.memref_squeeze %dma_start3A_215 : memref<1x32x1024xf32, #tpu.memory_space<hbm>> -> memref<32x1024xf32, #tpu.memory_space<hbm>>
    %dma_start3A_217 = arith.constant 0 : i32
    %dma_start3A_218 = tpu.memref_slice %arg2[%dma_start3A_213, %add3A_212, %dma_start3A_217] : memref<4x4096x1024xf32, #tpu.memory_space<hbm>> -> memref<1x32x1024xf32, #tpu.memory_space<hbm>>
    %dma_start3A_219 = tpu.memref_squeeze %dma_start3A_218 : memref<1x32x1024xf32, #tpu.memory_space<hbm>> -> memref<32x1024xf32, #tpu.memory_space<hbm>>
    tpu.enqueue_dma source(%dma_start3A_219 : memref<32x1024xf32, #tpu.memory_space<hbm>>) target(%arg5 : memref<32x1024xf32, #tpu.memory_space<vmem>>) target_semaphore(%arg8 : memref<!tpu.dma_semaphore, #tpu.memory_space<semaphore_mem>>)
    %parallel_loop3A_220 = arith.constant 0 : i32
    %parallel_loop3A_221 = arith.constant 32768 : i32
    %parallel_loop3A_222 = arith.constant 16 : i32
    scf.for %parallel_loop3A_600 = %parallel_loop3A_220 to %parallel_loop3A_221 step %parallel_loop3A_222  : i32 {
      %parallel_loop3A_601 = arith.constant 10 : i32
      %parallel_loop3A_602 = arith.shrui %parallel_loop3A_600, %parallel_loop3A_601 : i32
      %parallel_loop3A_603 = arith.constant 1023 : i32
      %parallel_loop3A_604 = arith.andi %parallel_loop3A_600, %parallel_loop3A_603 : i32
      %parallel_loop3A_605 = tpu.assume_multiple %parallel_loop3A_604, 16 : i32
      %parallel_loop3A_606 = arith.index_cast %parallel_loop3A_602 : i32 to index
      %parallel_loop3A_607 = arith.index_cast %parallel_loop3A_605 : i32 to index
      %parallel_loop3A_608 = tpu.vector_load %arg7[%parallel_loop3A_606, %parallel_loop3A_607] {strides = array<i32>} : memref<32x1024xf32, #tpu.memory_space<vmem>>, vector<1x16xf32>,
      %parallel_loop3A_609 = vector.shape_cast %parallel_loop3A_608 : vector<1x16xf32> to vector<16xf32>
      %parallel_loop3A_610 = arith.index_cast %parallel_loop3A_602 : i32 to index
      %parallel_loop3A_611 = arith.index_cast %parallel_loop3A_605 : i32 to index
      %parallel_loop3A_612 = tpu.vector_load %arg6[%parallel_loop3A_610, %parallel_loop3A_611] {strides = array<i32>} : memref<32x1024xf32, #tpu.memory_space<vmem>>, vector<1x16xf32>,
      %parallel_loop3A_613 = vector.shape_cast %parallel_loop3A_612 : vector<1x16xf32> to vector<16xf32>
      %parallel_loop3A_614 = vector.shape_cast %parallel_loop3A_609 : vector<16xf32> to vector<1x16xf32>
      tpu.vector_store %arg6[%parallel_loop3A_610, %parallel_loop3A_611], %parallel_loop3A_614 {add = true, strides = array<i32>} : memref<32x1024xf32, #tpu.memory_space<vmem>>, vector<1x16xf32>,
    } {sc.loop_unroll_factor = 8 : i64, sc.parallel_access}
    %add3A_223 = arith.constant 32 : i32
    %add3A_224 = arith.addi %mul3A_2, %add3A_223 : i32
    %dma_start3A_225 = arith.constant 1 : i32
    %dma_start3A_226 = arith.constant 0 : i32
    %dma_start3A_227 = tpu.memref_slice %arg4[%dma_start3A_225, %add3A_224, %dma_start3A_226] : memref<4x4096x1024xf32, #tpu.memory_space<hbm>> -> memref<1x32x1024xf32, #tpu.memory_space<hbm>>
    %dma_start3A_228 = tpu.memref_squeeze %dma_start3A_227 : memref<1x32x1024xf32, #tpu.memory_space<hbm>> -> memref<32x1024xf32, #tpu.memory_space<hbm>>
    %dma_start3A_229 = arith.constant 0 : i32
    %dma_start3A_230 = tpu.memref_slice %arg4[%dma_start3A_225, %add3A_224, %dma_start3A_229] : memref<4x4096x1024xf32, #tpu.memory_space<hbm>> -> memref<1x32x1024xf32, #tpu.memory_space<hbm>>
    %dma_start3A_231 = tpu.memref_squeeze %dma_start3A_230 : memref<1x32x1024xf32, #tpu.memory_space<hbm>> -> memref<32x1024xf32, #tpu.memory_space<hbm>>
    tpu.enqueue_dma source(%arg6 : memref<32x1024xf32, #tpu.memory_space<vmem>>) target(%dma_start3A_231 : memref<32x1024xf32, #tpu.memory_space<hbm>>) target_semaphore(%arg11 : memref<!tpu.dma_semaphore, #tpu.memory_space<semaphore_mem>>)
    %dma_wait3A_232 = arith.constant 2 : i32
    %dma_wait3A_233 = arith.constant 0 : i32
    %dma_wait3A_234 = tpu.memref_slice %arg2[%dma_wait3A_232, %add3A_212, %dma_wait3A_233] : memref<4x4096x1024xf32, #tpu.memory_space<hbm>> -> memref<1x32x1024xf32, #tpu.memory_space<hbm>>
    %dma_wait3A_235 = tpu.memref_squeeze %dma_wait3A_234 : memref<1x32x1024xf32, #tpu.memory_space<hbm>> -> memref<32x1024xf32, #tpu.memory_space<hbm>>
    %dma_wait3A_236 = arith.constant 0 : i32
    %dma_wait3A_237 = tpu.memref_slice %arg2[%dma_wait3A_232, %add3A_212, %dma_wait3A_236] : memref<4x4096x1024xf32, #tpu.memory_space<hbm>> -> memref<1x32x1024xf32, #tpu.memory_space<hbm>>
    %dma_wait3A_238 = tpu.memref_squeeze %dma_wait3A_237 : memref<1x32x1024xf32, #tpu.memory_space<hbm>> -> memref<32x1024xf32, #tpu.memory_space<hbm>>
    tpu.wait_dma2 semaphore(%arg8 : memref<!tpu.dma_semaphore, #tpu.memory_space<semaphore_mem>>) src(%dma_wait3A_238 : memref<32x1024xf32, #tpu.memory_space<hbm>>) dst(%arg5 : memref<32x1024xf32, #tpu.memory_space<vmem>>)
    %dma_wait3A_239 = arith.constant 1 : i32
    %dma_wait3A_240 = arith.constant 0 : i32
    %dma_wait3A_241 = tpu.memref_slice %arg4[%dma_wait3A_239, %add3A_224, %dma_wait3A_240] : memref<4x4096x1024xf32, #tpu.memory_space<hbm>> -> memref<1x32x1024xf32, #tpu.memory_space<hbm>>
    %dma_wait3A_242 = tpu.memref_squeeze %dma_wait3A_241 : memref<1x32x1024xf32, #tpu.memory_space<hbm>> -> memref<32x1024xf32, #tpu.memory_space<hbm>>
    %dma_wait3A_243 = arith.constant 0 : i32
    %dma_wait3A_244 = tpu.memref_slice %arg4[%dma_wait3A_239, %add3A_224, %dma_wait3A_243] : memref<4x4096x1024xf32, #tpu.memory_space<hbm>> -> memref<1x32x1024xf32, #tpu.memory_space<hbm>>
    %dma_wait3A_245 = tpu.memref_squeeze %dma_wait3A_244 : memref<1x32x1024xf32, #tpu.memory_space<hbm>> -> memref<32x1024xf32, #tpu.memory_space<hbm>>
    tpu.wait_dma2 semaphore(%arg11 : memref<!tpu.dma_semaphore, #tpu.memory_space<semaphore_mem>>) src(%arg6 : memref<32x1024xf32, #tpu.memory_space<vmem>>) dst(%dma_wait3A_245 : memref<32x1024xf32, #tpu.memory_space<hbm>>)
    %add3A_246 = arith.constant 32 : i32
    %add3A_247 = arith.addi %mul3A_2, %add3A_246 : i32
    %dma_start3A_248 = arith.constant 3 : i32
    %dma_start3A_249 = arith.constant 0 : i32
    %dma_start3A_250 = tpu.memref_slice %arg2[%dma_start3A_248, %add3A_247, %dma_start3A_249] : memref<4x4096x1024xf32, #tpu.memory_space<hbm>> -> memref<1x32x1024xf32, #tpu.memory_space<hbm>>
    %dma_start3A_251 = tpu.memref_squeeze %dma_start3A_250 : memref<1x32x1024xf32, #tpu.memory_space<hbm>> -> memref<32x1024xf32, #tpu.memory_space<hbm>>
    %dma_start3A_252 = arith.constant 0 : i32
    %dma_start3A_253 = tpu.memref_slice %arg2[%dma_start3A_248, %add3A_247, %dma_start3A_252] : memref<4x4096x1024xf32, #tpu.memory_space<hbm>> -> memref<1x32x1024xf32, #tpu.memory_space<hbm>>
    %dma_start3A_254 = tpu.memref_squeeze %dma_start3A_253 : memref<1x32x1024xf32, #tpu.memory_space<hbm>> -> memref<32x1024xf32, #tpu.memory_space<hbm>>
    tpu.enqueue_dma source(%dma_start3A_254 : memref<32x1024xf32, #tpu.memory_space<hbm>>) target(%arg6 : memref<32x1024xf32, #tpu.memory_space<vmem>>) target_semaphore(%arg9 : memref<!tpu.dma_semaphore, #tpu.memory_space<semaphore_mem>>)
    %parallel_loop3A_255 = arith.constant 0 : i32
    %parallel_loop3A_256 = arith.constant 32768 : i32
    %parallel_loop3A_257 = arith.constant 16 : i32
    scf.for %parallel_loop3A_600 = %parallel_loop3A_255 to %parallel_loop3A_256 step %parallel_loop3A_257  : i32 {
      %parallel_loop3A_601 = arith.constant 10 : i32
      %parallel_loop3A_602 = arith.shrui %parallel_loop3A_600, %parallel_loop3A_601 : i32
      %parallel_loop3A_603 = arith.constant 1023 : i32
      %parallel_loop3A_604 = arith.andi %parallel_loop3A_600, %parallel_loop3A_603 : i32
      %parallel_loop3A_605 = tpu.assume_multiple %parallel_loop3A_604, 16 : i32
      %parallel_loop3A_606 = arith.index_cast %parallel_loop3A_602 : i32 to index
      %parallel_loop3A_607 = arith.index_cast %parallel_loop3A_605 : i32 to index
      %parallel_loop3A_608 = tpu.vector_load %arg7[%parallel_loop3A_606, %parallel_loop3A_607] {strides = array<i32>} : memref<32x1024xf32, #tpu.memory_space<vmem>>, vector<1x16xf32>,
      %parallel_loop3A_609 = vector.shape_cast %parallel_loop3A_608 : vector<1x16xf32> to vector<16xf32>
      %parallel_loop3A_610 = arith.index_cast %parallel_loop3A_602 : i32 to index
      %parallel_loop3A_611 = arith.index_cast %parallel_loop3A_605 : i32 to index
      %parallel_loop3A_612 = tpu.vector_load %arg5[%parallel_loop3A_610, %parallel_loop3A_611] {strides = array<i32>} : memref<32x1024xf32, #tpu.memory_space<vmem>>, vector<1x16xf32>,
      %parallel_loop3A_613 = vector.shape_cast %parallel_loop3A_612 : vector<1x16xf32> to vector<16xf32>
      %parallel_loop3A_614 = vector.shape_cast %parallel_loop3A_609 : vector<16xf32> to vector<1x16xf32>
      tpu.vector_store %arg5[%parallel_loop3A_610, %parallel_loop3A_611], %parallel_loop3A_614 {add = true, strides = array<i32>} : memref<32x1024xf32, #tpu.memory_space<vmem>>, vector<1x16xf32>,
    } {sc.loop_unroll_factor = 8 : i64, sc.parallel_access}
    %add3A_258 = arith.constant 32 : i32
    %add3A_259 = arith.addi %mul3A_2, %add3A_258 : i32
    %dma_start3A_260 = arith.constant 2 : i32
    %dma_start3A_261 = arith.constant 0 : i32
    %dma_start3A_262 = tpu.memref_slice %arg4[%dma_start3A_260, %add3A_259, %dma_start3A_261] : memref<4x4096x1024xf32, #tpu.memory_space<hbm>> -> memref<1x32x1024xf32, #tpu.memory_space<hbm>>
    %dma_start3A_263 = tpu.memref_squeeze %dma_start3A_262 : memref<1x32x1024xf32, #tpu.memory_space<hbm>> -> memref<32x1024xf32, #tpu.memory_space<hbm>>
    %dma_start3A_264 = arith.constant 0 : i32
    %dma_start3A_265 = tpu.memref_slice %arg4[%dma_start3A_260, %add3A_259, %dma_start3A_264] : memref<4x4096x1024xf32, #tpu.memory_space<hbm>> -> memref<1x32x1024xf32, #tpu.memory_space<hbm>>
    %dma_start3A_266 = tpu.memref_squeeze %dma_start3A_265 : memref<1x32x1024xf32, #tpu.memory_space<hbm>> -> memref<32x1024xf32, #tpu.memory_space<hbm>>
    tpu.enqueue_dma source(%arg5 : memref<32x1024xf32, #tpu.memory_space<vmem>>) target(%dma_start3A_266 : memref<32x1024xf32, #tpu.memory_space<hbm>>) target_semaphore(%arg10 : memref<!tpu.dma_semaphore, #tpu.memory_space<semaphore_mem>>)
    %dma_wait3A_267 = arith.constant 3 : i32
    %dma_wait3A_268 = arith.constant 0 : i32
    %dma_wait3A_269 = tpu.memref_slice %arg2[%dma_wait3A_267, %add3A_247, %dma_wait3A_268] : memref<4x4096x1024xf32, #tpu.memory_space<hbm>> -> memref<1x32x1024xf32, #tpu.memory_space<hbm>>
    %dma_wait3A_270 = tpu.memref_squeeze %dma_wait3A_269 : memref<1x32x1024xf32, #tpu.memory_space<hbm>> -> memref<32x1024xf32, #tpu.memory_space<hbm>>
    %dma_wait3A_271 = arith.constant 0 : i32
    %dma_wait3A_272 = tpu.memref_slice %arg2[%dma_wait3A_267, %add3A_247, %dma_wait3A_271] : memref<4x4096x1024xf32, #tpu.memory_space<hbm>> -> memref<1x32x1024xf32, #tpu.memory_space<hbm>>
    %dma_wait3A_273 = tpu.memref_squeeze %dma_wait3A_272 : memref<1x32x1024xf32, #tpu.memory_space<hbm>> -> memref<32x1024xf32, #tpu.memory_space<hbm>>
    tpu.wait_dma2 semaphore(%arg9 : memref<!tpu.dma_semaphore, #tpu.memory_space<semaphore_mem>>) src(%dma_wait3A_273 : memref<32x1024xf32, #tpu.memory_space<hbm>>) dst(%arg6 : memref<32x1024xf32, #tpu.memory_space<vmem>>)
    %dma_wait3A_274 = arith.constant 2 : i32
    %dma_wait3A_275 = arith.constant 0 : i32
    %dma_wait3A_276 = tpu.memref_slice %arg4[%dma_wait3A_274, %add3A_259, %dma_wait3A_275] : memref<4x4096x1024xf32, #tpu.memory_space<hbm>> -> memref<1x32x1024xf32, #tpu.memory_space<hbm>>
    %dma_wait3A_277 = tpu.memref_squeeze %dma_wait3A_276 : memref<1x32x1024xf32, #tpu.memory_space<hbm>> -> memref<32x1024xf32, #tpu.memory_space<hbm>>
    %dma_wait3A_278 = arith.constant 0 : i32
    %dma_wait3A_279 = tpu.memref_slice %arg4[%dma_wait3A_274, %add3A_259, %dma_wait3A_278] : memref<4x4096x1024xf32, #tpu.memory_space<hbm>> -> memref<1x32x1024xf32, #tpu.memory_space<hbm>>
    %dma_wait3A_280 = tpu.memref_squeeze %dma_wait3A_279 : memref<1x32x1024xf32, #tpu.memory_space<hbm>> -> memref<32x1024xf32, #tpu.memory_space<hbm>>
    tpu.wait_dma2 semaphore(%arg10 : memref<!tpu.dma_semaphore, #tpu.memory_space<semaphore_mem>>) src(%arg5 : memref<32x1024xf32, #tpu.memory_space<vmem>>) dst(%dma_wait3A_280 : memref<32x1024xf32, #tpu.memory_space<hbm>>)
    %add3A_281 = arith.constant 64 : i32
    %add3A_282 = arith.addi %mul3A_2, %add3A_281 : i32
    %dma_start3A_283 = arith.constant 0 : i32
    %dma_start3A_284 = arith.constant 0 : i32
    %dma_start3A_285 = tpu.memref_slice %arg2[%dma_start3A_283, %add3A_282, %dma_start3A_284] : memref<4x4096x1024xf32, #tpu.memory_space<hbm>> -> memref<1x32x1024xf32, #tpu.memory_space<hbm>>
    %dma_start3A_286 = tpu.memref_squeeze %dma_start3A_285 : memref<1x32x1024xf32, #tpu.memory_space<hbm>> -> memref<32x1024xf32, #tpu.memory_space<hbm>>
    %dma_start3A_287 = arith.constant 0 : i32
    %dma_start3A_288 = tpu.memref_slice %arg2[%dma_start3A_283, %add3A_282, %dma_start3A_287] : memref<4x4096x1024xf32, #tpu.memory_space<hbm>> -> memref<1x32x1024xf32, #tpu.memory_space<hbm>>
    %dma_start3A_289 = tpu.memref_squeeze %dma_start3A_288 : memref<1x32x1024xf32, #tpu.memory_space<hbm>> -> memref<32x1024xf32, #tpu.memory_space<hbm>>
    tpu.enqueue_dma source(%dma_start3A_289 : memref<32x1024xf32, #tpu.memory_space<hbm>>) target(%arg5 : memref<32x1024xf32, #tpu.memory_space<vmem>>) target_semaphore(%arg8 : memref<!tpu.dma_semaphore, #tpu.memory_space<semaphore_mem>>)
    %parallel_loop3A_290 = arith.constant 0 : i32
    %parallel_loop3A_291 = arith.constant 32768 : i32
    %parallel_loop3A_292 = arith.constant 16 : i32
    scf.for %parallel_loop3A_600 = %parallel_loop3A_290 to %parallel_loop3A_291 step %parallel_loop3A_292  : i32 {
      %parallel_loop3A_601 = arith.constant 10 : i32
      %parallel_loop3A_602 = arith.shrui %parallel_loop3A_600, %parallel_loop3A_601 : i32
      %parallel_loop3A_603 = arith.constant 1023 : i32
      %parallel_loop3A_604 = arith.andi %parallel_loop3A_600, %parallel_loop3A_603 : i32
      %parallel_loop3A_605 = tpu.assume_multiple %parallel_loop3A_604, 16 : i32
      %parallel_loop3A_606 = arith.index_cast %parallel_loop3A_602 : i32 to index
      %parallel_loop3A_607 = arith.index_cast %parallel_loop3A_605 : i32 to index
      %parallel_loop3A_608 = tpu.vector_load %arg7[%parallel_loop3A_606, %parallel_loop3A_607] {strides = array<i32>} : memref<32x1024xf32, #tpu.memory_space<vmem>>, vector<1x16xf32>,
      %parallel_loop3A_609 = vector.shape_cast %parallel_loop3A_608 : vector<1x16xf32> to vector<16xf32>
      %parallel_loop3A_610 = arith.index_cast %parallel_loop3A_602 : i32 to index
      %parallel_loop3A_611 = arith.index_cast %parallel_loop3A_605 : i32 to index
      %parallel_loop3A_612 = tpu.vector_load %arg6[%parallel_loop3A_610, %parallel_loop3A_611] {strides = array<i32>} : memref<32x1024xf32, #tpu.memory_space<vmem>>, vector<1x16xf32>,
      %parallel_loop3A_613 = vector.shape_cast %parallel_loop3A_612 : vector<1x16xf32> to vector<16xf32>
      %parallel_loop3A_614 = vector.shape_cast %parallel_loop3A_609 : vector<16xf32> to vector<1x16xf32>
      tpu.vector_store %arg6[%parallel_loop3A_610, %parallel_loop3A_611], %parallel_loop3A_614 {add = true, strides = array<i32>} : memref<32x1024xf32, #tpu.memory_space<vmem>>, vector<1x16xf32>,
    } {sc.loop_unroll_factor = 8 : i64, sc.parallel_access}
    %add3A_293 = arith.constant 64 : i32
    %add3A_294 = arith.addi %mul3A_2, %add3A_293 : i32
    %dma_start3A_295 = arith.constant 0 : i32
    %dma_start3A_296 = tpu.memref_slice %arg3[%add3A_294, %dma_start3A_295] : memref<8192x1024xf32, #tpu.memory_space<hbm>> -> memref<32x1024xf32, #tpu.memory_space<hbm>>
    %dma_start3A_297 = arith.constant 0 : i32
    %dma_start3A_298 = tpu.memref_slice %arg3[%add3A_294, %dma_start3A_297] : memref<8192x1024xf32, #tpu.memory_space<hbm>> -> memref<32x1024xf32, #tpu.memory_space<hbm>>
    tpu.enqueue_dma source(%dma_start3A_298 : memref<32x1024xf32, #tpu.memory_space<hbm>>) target(%arg7 : memref<32x1024xf32, #tpu.memory_space<vmem>>) target_semaphore(%arg12 : memref<!tpu.dma_semaphore, #tpu.memory_space<semaphore_mem>>)
    %add3A_299 = arith.constant 32 : i32
    %add3A_300 = arith.addi %mul3A_2, %add3A_299 : i32
    %dma_start3A_301 = arith.constant 3 : i32
    %dma_start3A_302 = arith.constant 0 : i32
    %dma_start3A_303 = tpu.memref_slice %arg4[%dma_start3A_301, %add3A_300, %dma_start3A_302] : memref<4x4096x1024xf32, #tpu.memory_space<hbm>> -> memref<1x32x1024xf32, #tpu.memory_space<hbm>>
    %dma_start3A_304 = tpu.memref_squeeze %dma_start3A_303 : memref<1x32x1024xf32, #tpu.memory_space<hbm>> -> memref<32x1024xf32, #tpu.memory_space<hbm>>
    %dma_start3A_305 = arith.constant 0 : i32
    %dma_start3A_306 = tpu.memref_slice %arg4[%dma_start3A_301, %add3A_300, %dma_start3A_305] : memref<4x4096x1024xf32, #tpu.memory_space<hbm>> -> memref<1x32x1024xf32, #tpu.memory_space<hbm>>
    %dma_start3A_307 = tpu.memref_squeeze %dma_start3A_306 : memref<1x32x1024xf32, #tpu.memory_space<hbm>> -> memref<32x1024xf32, #tpu.memory_space<hbm>>
    tpu.enqueue_dma source(%arg6 : memref<32x1024xf32, #tpu.memory_space<vmem>>) target(%dma_start3A_307 : memref<32x1024xf32, #tpu.memory_space<hbm>>) target_semaphore(%arg11 : memref<!tpu.dma_semaphore, #tpu.memory_space<semaphore_mem>>)
    %dma_wait3A_308 = arith.constant 0 : i32
    %dma_wait3A_309 = tpu.memref_slice %arg3[%add3A_294, %dma_wait3A_308] : memref<8192x1024xf32, #tpu.memory_space<hbm>> -> memref<32x1024xf32, #tpu.memory_space<hbm>>
    %dma_wait3A_310 = arith.constant 0 : i32
    %dma_wait3A_311 = tpu.memref_slice %arg3[%add3A_294, %dma_wait3A_310] : memref<8192x1024xf32, #tpu.memory_space<hbm>> -> memref<32x1024xf32, #tpu.memory_space<hbm>>
    tpu.wait_dma2 semaphore(%arg12 : memref<!tpu.dma_semaphore, #tpu.memory_space<semaphore_mem>>) src(%dma_wait3A_311 : memref<32x1024xf32, #tpu.memory_space<hbm>>) dst(%arg7 : memref<32x1024xf32, #tpu.memory_space<vmem>>)
    %dma_wait3A_312 = arith.constant 0 : i32
    %dma_wait3A_313 = arith.constant 0 : i32
    %dma_wait3A_314 = tpu.memref_slice %arg2[%dma_wait3A_312, %add3A_282, %dma_wait3A_313] : memref<4x4096x1024xf32, #tpu.memory_space<hbm>> -> memref<1x32x1024xf32, #tpu.memory_space<hbm>>
    %dma_wait3A_315 = tpu.memref_squeeze %dma_wait3A_314 : memref<1x32x1024xf32, #tpu.memory_space<hbm>> -> memref<32x1024xf32, #tpu.memory_space<hbm>>
    %dma_wait3A_316 = arith.constant 0 : i32
    %dma_wait3A_317 = tpu.memref_slice %arg2[%dma_wait3A_312, %add3A_282, %dma_wait3A_316] : memref<4x4096x1024xf32, #tpu.memory_space<hbm>> -> memref<1x32x1024xf32, #tpu.memory_space<hbm>>
    %dma_wait3A_318 = tpu.memref_squeeze %dma_wait3A_317 : memref<1x32x1024xf32, #tpu.memory_space<hbm>> -> memref<32x1024xf32, #tpu.memory_space<hbm>>
    tpu.wait_dma2 semaphore(%arg8 : memref<!tpu.dma_semaphore, #tpu.memory_space<semaphore_mem>>) src(%dma_wait3A_318 : memref<32x1024xf32, #tpu.memory_space<hbm>>) dst(%arg5 : memref<32x1024xf32, #tpu.memory_space<vmem>>)
    %dma_wait3A_319 = arith.constant 3 : i32
    %dma_wait3A_320 = arith.constant 0 : i32
    %dma_wait3A_321 = tpu.memref_slice %arg4[%dma_wait3A_319, %add3A_300, %dma_wait3A_320] : memref<4x4096x1024xf32, #tpu.memory_space<hbm>> -> memref<1x32x1024xf32, #tpu.memory_space<hbm>>
    %dma_wait3A_322 = tpu.memref_squeeze %dma_wait3A_321 : memref<1x32x1024xf32, #tpu.memory_space<hbm>> -> memref<32x1024xf32, #tpu.memory_space<hbm>>
    %dma_wait3A_323 = arith.constant 0 : i32
    %dma_wait3A_324 = tpu.memref_slice %arg4[%dma_wait3A_319, %add3A_300, %dma_wait3A_323] : memref<4x4096x1024xf32, #tpu.memory_space<hbm>> -> memref<1x32x1024xf32, #tpu.memory_space<hbm>>
    %dma_wait3A_325 = tpu.memref_squeeze %dma_wait3A_324 : memref<1x32x1024xf32, #tpu.memory_space<hbm>> -> memref<32x1024xf32, #tpu.memory_space<hbm>>
    tpu.wait_dma2 semaphore(%arg11 : memref<!tpu.dma_semaphore, #tpu.memory_space<semaphore_mem>>) src(%arg6 : memref<32x1024xf32, #tpu.memory_space<vmem>>) dst(%dma_wait3A_325 : memref<32x1024xf32, #tpu.memory_space<hbm>>)
    %add3A_326 = arith.constant 64 : i32
    %add3A_327 = arith.addi %mul3A_2, %add3A_326 : i32
    %dma_start3A_328 = arith.constant 1 : i32
    %dma_start3A_329 = arith.constant 0 : i32
    %dma_start3A_330 = tpu.memref_slice %arg2[%dma_start3A_328, %add3A_327, %dma_start3A_329] : memref<4x4096x1024xf32, #tpu.memory_space<hbm>> -> memref<1x32x1024xf32, #tpu.memory_space<hbm>>
    %dma_start3A_331 = tpu.memref_squeeze %dma_start3A_330 : memref<1x32x1024xf32, #tpu.memory_space<hbm>> -> memref<32x1024xf32, #tpu.memory_space<hbm>>
    %dma_start3A_332 = arith.constant 0 : i32
    %dma_start3A_333 = tpu.memref_slice %arg2[%dma_start3A_328, %add3A_327, %dma_start3A_332] : memref<4x4096x1024xf32, #tpu.memory_space<hbm>> -> memref<1x32x1024xf32, #tpu.memory_space<hbm>>
    %dma_start3A_334 = tpu.memref_squeeze %dma_start3A_333 : memref<1x32x1024xf32, #tpu.memory_space<hbm>> -> memref<32x1024xf32, #tpu.memory_space<hbm>>
    tpu.enqueue_dma source(%dma_start3A_334 : memref<32x1024xf32, #tpu.memory_space<hbm>>) target(%arg6 : memref<32x1024xf32, #tpu.memory_space<vmem>>) target_semaphore(%arg9 : memref<!tpu.dma_semaphore, #tpu.memory_space<semaphore_mem>>)
    %parallel_loop3A_335 = arith.constant 0 : i32
    %parallel_loop3A_336 = arith.constant 32768 : i32
    %parallel_loop3A_337 = arith.constant 16 : i32
    scf.for %parallel_loop3A_600 = %parallel_loop3A_335 to %parallel_loop3A_336 step %parallel_loop3A_337  : i32 {
      %parallel_loop3A_601 = arith.constant 10 : i32
      %parallel_loop3A_602 = arith.shrui %parallel_loop3A_600, %parallel_loop3A_601 : i32
      %parallel_loop3A_603 = arith.constant 1023 : i32
      %parallel_loop3A_604 = arith.andi %parallel_loop3A_600, %parallel_loop3A_603 : i32
      %parallel_loop3A_605 = tpu.assume_multiple %parallel_loop3A_604, 16 : i32
      %parallel_loop3A_606 = arith.index_cast %parallel_loop3A_602 : i32 to index
      %parallel_loop3A_607 = arith.index_cast %parallel_loop3A_605 : i32 to index
      %parallel_loop3A_608 = tpu.vector_load %arg7[%parallel_loop3A_606, %parallel_loop3A_607] {strides = array<i32>} : memref<32x1024xf32, #tpu.memory_space<vmem>>, vector<1x16xf32>,
      %parallel_loop3A_609 = vector.shape_cast %parallel_loop3A_608 : vector<1x16xf32> to vector<16xf32>
      %parallel_loop3A_610 = arith.index_cast %parallel_loop3A_602 : i32 to index
      %parallel_loop3A_611 = arith.index_cast %parallel_loop3A_605 : i32 to index
      %parallel_loop3A_612 = tpu.vector_load %arg5[%parallel_loop3A_610, %parallel_loop3A_611] {strides = array<i32>} : memref<32x1024xf32, #tpu.memory_space<vmem>>, vector<1x16xf32>,
      %parallel_loop3A_613 = vector.shape_cast %parallel_loop3A_612 : vector<1x16xf32> to vector<16xf32>
      %parallel_loop3A_614 = vector.shape_cast %parallel_loop3A_609 : vector<16xf32> to vector<1x16xf32>
      tpu.vector_store %arg5[%parallel_loop3A_610, %parallel_loop3A_611], %parallel_loop3A_614 {add = true, strides = array<i32>} : memref<32x1024xf32, #tpu.memory_space<vmem>>, vector<1x16xf32>,
    } {sc.loop_unroll_factor = 8 : i64, sc.parallel_access}
    %add3A_338 = arith.constant 64 : i32
    %add3A_339 = arith.addi %mul3A_2, %add3A_338 : i32
    %dma_start3A_340 = arith.constant 0 : i32
    %dma_start3A_341 = arith.constant 0 : i32
    %dma_start3A_342 = tpu.memref_slice %arg4[%dma_start3A_340, %add3A_339, %dma_start3A_341] : memref<4x4096x1024xf32, #tpu.memory_space<hbm>> -> memref<1x32x1024xf32, #tpu.memory_space<hbm>>
    %dma_start3A_343 = tpu.memref_squeeze %dma_start3A_342 : memref<1x32x1024xf32, #tpu.memory_space<hbm>> -> memref<32x1024xf32, #tpu.memory_space<hbm>>
    %dma_start3A_344 = arith.constant 0 : i32
    %dma_start3A_345 = tpu.memref_slice %arg4[%dma_start3A_340, %add3A_339, %dma_start3A_344] : memref<4x4096x1024xf32, #tpu.memory_space<hbm>> -> memref<1x32x1024xf32, #tpu.memory_space<hbm>>
    %dma_start3A_346 = tpu.memref_squeeze %dma_start3A_345 : memref<1x32x1024xf32, #tpu.memory_space<hbm>> -> memref<32x1024xf32, #tpu.memory_space<hbm>>
    tpu.enqueue_dma source(%arg5 : memref<32x1024xf32, #tpu.memory_space<vmem>>) target(%dma_start3A_346 : memref<32x1024xf32, #tpu.memory_space<hbm>>) target_semaphore(%arg10 : memref<!tpu.dma_semaphore, #tpu.memory_space<semaphore_mem>>)
    %dma_wait3A_347 = arith.constant 1 : i32
    %dma_wait3A_348 = arith.constant 0 : i32
    %dma_wait3A_349 = tpu.memref_slice %arg2[%dma_wait3A_347, %add3A_327, %dma_wait3A_348] : memref<4x4096x1024xf32, #tpu.memory_space<hbm>> -> memref<1x32x1024xf32, #tpu.memory_space<hbm>>
    %dma_wait3A_350 = tpu.memref_squeeze %dma_wait3A_349 : memref<1x32x1024xf32, #tpu.memory_space<hbm>> -> memref<32x1024xf32, #tpu.memory_space<hbm>>
    %dma_wait3A_351 = arith.constant 0 : i32
    %dma_wait3A_352 = tpu.memref_slice %arg2[%dma_wait3A_347, %add3A_327, %dma_wait3A_351] : memref<4x4096x1024xf32, #tpu.memory_space<hbm>> -> memref<1x32x1024xf32, #tpu.memory_space<hbm>>
    %dma_wait3A_353 = tpu.memref_squeeze %dma_wait3A_352 : memref<1x32x1024xf32, #tpu.memory_space<hbm>> -> memref<32x1024xf32, #tpu.memory_space<hbm>>
    tpu.wait_dma2 semaphore(%arg9 : memref<!tpu.dma_semaphore, #tpu.memory_space<semaphore_mem>>) src(%dma_wait3A_353 : memref<32x1024xf32, #tpu.memory_space<hbm>>) dst(%arg6 : memref<32x1024xf32, #tpu.memory_space<vmem>>)
    %dma_wait3A_354 = arith.constant 0 : i32
    %dma_wait3A_355 = arith.constant 0 : i32
    %dma_wait3A_356 = tpu.memref_slice %arg4[%dma_wait3A_354, %add3A_339, %dma_wait3A_355] : memref<4x4096x1024xf32, #tpu.memory_space<hbm>> -> memref<1x32x1024xf32, #tpu.memory_space<hbm>>
    %dma_wait3A_357 = tpu.memref_squeeze %dma_wait3A_356 : memref<1x32x1024xf32, #tpu.memory_space<hbm>> -> memref<32x1024xf32, #tpu.memory_space<hbm>>
    %dma_wait3A_358 = arith.constant 0 : i32
    %dma_wait3A_359 = tpu.memref_slice %arg4[%dma_wait3A_354, %add3A_339, %dma_wait3A_358] : memref<4x4096x1024xf32, #tpu.memory_space<hbm>> -> memref<1x32x1024xf32, #tpu.memory_space<hbm>>
    %dma_wait3A_360 = tpu.memref_squeeze %dma_wait3A_359 : memref<1x32x1024xf32, #tpu.memory_space<hbm>> -> memref<32x1024xf32, #tpu.memory_space<hbm>>
    tpu.wait_dma2 semaphore(%arg10 : memref<!tpu.dma_semaphore, #tpu.memory_space<semaphore_mem>>) src(%arg5 : memref<32x1024xf32, #tpu.memory_space<vmem>>) dst(%dma_wait3A_360 : memref<32x1024xf32, #tpu.memory_space<hbm>>)
    %add3A_361 = arith.constant 64 : i32
    %add3A_362 = arith.addi %mul3A_2, %add3A_361 : i32
    %dma_start3A_363 = arith.constant 2 : i32
    %dma_start3A_364 = arith.constant 0 : i32
    %dma_start3A_365 = tpu.memref_slice %arg2[%dma_start3A_363, %add3A_362, %dma_start3A_364] : memref<4x4096x1024xf32, #tpu.memory_space<hbm>> -> memref<1x32x1024xf32, #tpu.memory_space<hbm>>
    %dma_start3A_366 = tpu.memref_squeeze %dma_start3A_365 : memref<1x32x1024xf32, #tpu.memory_space<hbm>> -> memref<32x1024xf32, #tpu.memory_space<hbm>>
    %dma_start3A_367 = arith.constant 0 : i32
    %dma_start3A_368 = tpu.memref_slice %arg2[%dma_start3A_363, %add3A_362, %dma_start3A_367] : memref<4x4096x1024xf32, #tpu.memory_space<hbm>> -> memref<1x32x1024xf32, #tpu.memory_space<hbm>>
    %dma_start3A_369 = tpu.memref_squeeze %dma_start3A_368 : memref<1x32x1024xf32, #tpu.memory_space<hbm>> -> memref<32x1024xf32, #tpu.memory_space<hbm>>
    tpu.enqueue_dma source(%dma_start3A_369 : memref<32x1024xf32, #tpu.memory_space<hbm>>) target(%arg5 : memref<32x1024xf32, #tpu.memory_space<vmem>>) target_semaphore(%arg8 : memref<!tpu.dma_semaphore, #tpu.memory_space<semaphore_mem>>)
    %parallel_loop3A_370 = arith.constant 0 : i32
    %parallel_loop3A_371 = arith.constant 32768 : i32
    %parallel_loop3A_372 = arith.constant 16 : i32
    scf.for %parallel_loop3A_600 = %parallel_loop3A_370 to %parallel_loop3A_371 step %parallel_loop3A_372  : i32 {
      %parallel_loop3A_601 = arith.constant 10 : i32
      %parallel_loop3A_602 = arith.shrui %parallel_loop3A_600, %parallel_loop3A_601 : i32
      %parallel_loop3A_603 = arith.constant 1023 : i32
      %parallel_loop3A_604 = arith.andi %parallel_loop3A_600, %parallel_loop3A_603 : i32
      %parallel_loop3A_605 = tpu.assume_multiple %parallel_loop3A_604, 16 : i32
      %parallel_loop3A_606 = arith.index_cast %parallel_loop3A_602 : i32 to index
      %parallel_loop3A_607 = arith.index_cast %parallel_loop3A_605 : i32 to index
      %parallel_loop3A_608 = tpu.vector_load %arg7[%parallel_loop3A_606, %parallel_loop3A_607] {strides = array<i32>} : memref<32x1024xf32, #tpu.memory_space<vmem>>, vector<1x16xf32>,
      %parallel_loop3A_609 = vector.shape_cast %parallel_loop3A_608 : vector<1x16xf32> to vector<16xf32>
      %parallel_loop3A_610 = arith.index_cast %parallel_loop3A_602 : i32 to index
      %parallel_loop3A_611 = arith.index_cast %parallel_loop3A_605 : i32 to index
      %parallel_loop3A_612 = tpu.vector_load %arg6[%parallel_loop3A_610, %parallel_loop3A_611] {strides = array<i32>} : memref<32x1024xf32, #tpu.memory_space<vmem>>, vector<1x16xf32>,
      %parallel_loop3A_613 = vector.shape_cast %parallel_loop3A_612 : vector<1x16xf32> to vector<16xf32>
      %parallel_loop3A_614 = vector.shape_cast %parallel_loop3A_609 : vector<16xf32> to vector<1x16xf32>
      tpu.vector_store %arg6[%parallel_loop3A_610, %parallel_loop3A_611], %parallel_loop3A_614 {add = true, strides = array<i32>} : memref<32x1024xf32, #tpu.memory_space<vmem>>, vector<1x16xf32>,
    } {sc.loop_unroll_factor = 8 : i64, sc.parallel_access}
    %add3A_373 = arith.constant 64 : i32
    %add3A_374 = arith.addi %mul3A_2, %add3A_373 : i32
    %dma_start3A_375 = arith.constant 1 : i32
    %dma_start3A_376 = arith.constant 0 : i32
    %dma_start3A_377 = tpu.memref_slice %arg4[%dma_start3A_375, %add3A_374, %dma_start3A_376] : memref<4x4096x1024xf32, #tpu.memory_space<hbm>> -> memref<1x32x1024xf32, #tpu.memory_space<hbm>>
    %dma_start3A_378 = tpu.memref_squeeze %dma_start3A_377 : memref<1x32x1024xf32, #tpu.memory_space<hbm>> -> memref<32x1024xf32, #tpu.memory_space<hbm>>
    %dma_start3A_379 = arith.constant 0 : i32
    %dma_start3A_380 = tpu.memref_slice %arg4[%dma_start3A_375, %add3A_374, %dma_start3A_379] : memref<4x4096x1024xf32, #tpu.memory_space<hbm>> -> memref<1x32x1024xf32, #tpu.memory_space<hbm>>
    %dma_start3A_381 = tpu.memref_squeeze %dma_start3A_380 : memref<1x32x1024xf32, #tpu.memory_space<hbm>> -> memref<32x1024xf32, #tpu.memory_space<hbm>>
    tpu.enqueue_dma source(%arg6 : memref<32x1024xf32, #tpu.memory_space<vmem>>) target(%dma_start3A_381 : memref<32x1024xf32, #tpu.memory_space<hbm>>) target_semaphore(%arg11 : memref<!tpu.dma_semaphore, #tpu.memory_space<semaphore_mem>>)
    %dma_wait3A_382 = arith.constant 2 : i32
    %dma_wait3A_383 = arith.constant 0 : i32
    %dma_wait3A_384 = tpu.memref_slice %arg2[%dma_wait3A_382, %add3A_362, %dma_wait3A_383] : memref<4x4096x1024xf32, #tpu.memory_space<hbm>> -> memref<1x32x1024xf32, #tpu.memory_space<hbm>>
    %dma_wait3A_385 = tpu.memref_squeeze %dma_wait3A_384 : memref<1x32x1024xf32, #tpu.memory_space<hbm>> -> memref<32x1024xf32, #tpu.memory_space<hbm>>
    %dma_wait3A_386 = arith.constant 0 : i32
    %dma_wait3A_387 = tpu.memref_slice %arg2[%dma_wait3A_382, %add3A_362, %dma_wait3A_386] : memref<4x4096x1024xf32, #tpu.memory_space<hbm>> -> memref<1x32x1024xf32, #tpu.memory_space<hbm>>
    %dma_wait3A_388 = tpu.memref_squeeze %dma_wait3A_387 : memref<1x32x1024xf32, #tpu.memory_space<hbm>> -> memref<32x1024xf32, #tpu.memory_space<hbm>>
    tpu.wait_dma2 semaphore(%arg8 : memref<!tpu.dma_semaphore, #tpu.memory_space<semaphore_mem>>) src(%dma_wait3A_388 : memref<32x1024xf32, #tpu.memory_space<hbm>>) dst(%arg5 : memref<32x1024xf32, #tpu.memory_space<vmem>>)
    %dma_wait3A_389 = arith.constant 1 : i32
    %dma_wait3A_390 = arith.constant 0 : i32
    %dma_wait3A_391 = tpu.memref_slice %arg4[%dma_wait3A_389, %add3A_374, %dma_wait3A_390] : memref<4x4096x1024xf32, #tpu.memory_space<hbm>> -> memref<1x32x1024xf32, #tpu.memory_space<hbm>>
    %dma_wait3A_392 = tpu.memref_squeeze %dma_wait3A_391 : memref<1x32x1024xf32, #tpu.memory_space<hbm>> -> memref<32x1024xf32, #tpu.memory_space<hbm>>
    %dma_wait3A_393 = arith.constant 0 : i32
    %dma_wait3A_394 = tpu.memref_slice %arg4[%dma_wait3A_389, %add3A_374, %dma_wait3A_393] : memref<4x4096x1024xf32, #tpu.memory_space<hbm>> -> memref<1x32x1024xf32, #tpu.memory_space<hbm>>
    %dma_wait3A_395 = tpu.memref_squeeze %dma_wait3A_394 : memref<1x32x1024xf32, #tpu.memory_space<hbm>> -> memref<32x1024xf32, #tpu.memory_space<hbm>>
    tpu.wait_dma2 semaphore(%arg11 : memref<!tpu.dma_semaphore, #tpu.memory_space<semaphore_mem>>) src(%arg6 : memref<32x1024xf32, #tpu.memory_space<vmem>>) dst(%dma_wait3A_395 : memref<32x1024xf32, #tpu.memory_space<hbm>>)
    %add3A_396 = arith.constant 64 : i32
    %add3A_397 = arith.addi %mul3A_2, %add3A_396 : i32
    %dma_start3A_398 = arith.constant 3 : i32
    %dma_start3A_399 = arith.constant 0 : i32
    %dma_start3A_400 = tpu.memref_slice %arg2[%dma_start3A_398, %add3A_397, %dma_start3A_399] : memref<4x4096x1024xf32, #tpu.memory_space<hbm>> -> memref<1x32x1024xf32, #tpu.memory_space<hbm>>
    %dma_start3A_401 = tpu.memref_squeeze %dma_start3A_400 : memref<1x32x1024xf32, #tpu.memory_space<hbm>> -> memref<32x1024xf32, #tpu.memory_space<hbm>>
    %dma_start3A_402 = arith.constant 0 : i32
    %dma_start3A_403 = tpu.memref_slice %arg2[%dma_start3A_398, %add3A_397, %dma_start3A_402] : memref<4x4096x1024xf32, #tpu.memory_space<hbm>> -> memref<1x32x1024xf32, #tpu.memory_space<hbm>>
    %dma_start3A_404 = tpu.memref_squeeze %dma_start3A_403 : memref<1x32x1024xf32, #tpu.memory_space<hbm>> -> memref<32x1024xf32, #tpu.memory_space<hbm>>
    tpu.enqueue_dma source(%dma_start3A_404 : memref<32x1024xf32, #tpu.memory_space<hbm>>) target(%arg6 : memref<32x1024xf32, #tpu.memory_space<vmem>>) target_semaphore(%arg9 : memref<!tpu.dma_semaphore, #tpu.memory_space<semaphore_mem>>)
    %parallel_loop3A_405 = arith.constant 0 : i32
    %parallel_loop3A_406 = arith.constant 32768 : i32
    %parallel_loop3A_407 = arith.constant 16 : i32
    scf.for %parallel_loop3A_600 = %parallel_loop3A_405 to %parallel_loop3A_406 step %parallel_loop3A_407  : i32 {
      %parallel_loop3A_601 = arith.constant 10 : i32
      %parallel_loop3A_602 = arith.shrui %parallel_loop3A_600, %parallel_loop3A_601 : i32
      %parallel_loop3A_603 = arith.constant 1023 : i32
      %parallel_loop3A_604 = arith.andi %parallel_loop3A_600, %parallel_loop3A_603 : i32
      %parallel_loop3A_605 = tpu.assume_multiple %parallel_loop3A_604, 16 : i32
      %parallel_loop3A_606 = arith.index_cast %parallel_loop3A_602 : i32 to index
      %parallel_loop3A_607 = arith.index_cast %parallel_loop3A_605 : i32 to index
      %parallel_loop3A_608 = tpu.vector_load %arg7[%parallel_loop3A_606, %parallel_loop3A_607] {strides = array<i32>} : memref<32x1024xf32, #tpu.memory_space<vmem>>, vector<1x16xf32>,
      %parallel_loop3A_609 = vector.shape_cast %parallel_loop3A_608 : vector<1x16xf32> to vector<16xf32>
      %parallel_loop3A_610 = arith.index_cast %parallel_loop3A_602 : i32 to index
      %parallel_loop3A_611 = arith.index_cast %parallel_loop3A_605 : i32 to index
      %parallel_loop3A_612 = tpu.vector_load %arg5[%parallel_loop3A_610, %parallel_loop3A_611] {strides = array<i32>} : memref<32x1024xf32, #tpu.memory_space<vmem>>, vector<1x16xf32>,
      %parallel_loop3A_613 = vector.shape_cast %parallel_loop3A_612 : vector<1x16xf32> to vector<16xf32>
      %parallel_loop3A_614 = vector.shape_cast %parallel_loop3A_609 : vector<16xf32> to vector<1x16xf32>
      tpu.vector_store %arg5[%parallel_loop3A_610, %parallel_loop3A_611], %parallel_loop3A_614 {add = true, strides = array<i32>} : memref<32x1024xf32, #tpu.memory_space<vmem>>, vector<1x16xf32>,
    } {sc.loop_unroll_factor = 8 : i64, sc.parallel_access}
    %add3A_408 = arith.constant 64 : i32
    %add3A_409 = arith.addi %mul3A_2, %add3A_408 : i32
    %dma_start3A_410 = arith.constant 2 : i32
    %dma_start3A_411 = arith.constant 0 : i32
    %dma_start3A_412 = tpu.memref_slice %arg4[%dma_start3A_410, %add3A_409, %dma_start3A_411] : memref<4x4096x1024xf32, #tpu.memory_space<hbm>> -> memref<1x32x1024xf32, #tpu.memory_space<hbm>>
    %dma_start3A_413 = tpu.memref_squeeze %dma_start3A_412 : memref<1x32x1024xf32, #tpu.memory_space<hbm>> -> memref<32x1024xf32, #tpu.memory_space<hbm>>
    %dma_start3A_414 = arith.constant 0 : i32
    %dma_start3A_415 = tpu.memref_slice %arg4[%dma_start3A_410, %add3A_409, %dma_start3A_414] : memref<4x4096x1024xf32, #tpu.memory_space<hbm>> -> memref<1x32x1024xf32, #tpu.memory_space<hbm>>
    %dma_start3A_416 = tpu.memref_squeeze %dma_start3A_415 : memref<1x32x1024xf32, #tpu.memory_space<hbm>> -> memref<32x1024xf32, #tpu.memory_space<hbm>>
    tpu.enqueue_dma source(%arg5 : memref<32x1024xf32, #tpu.memory_space<vmem>>) target(%dma_start3A_416 : memref<32x1024xf32, #tpu.memory_space<hbm>>) target_semaphore(%arg10 : memref<!tpu.dma_semaphore, #tpu.memory_space<semaphore_mem>>)
    %dma_wait3A_417 = arith.constant 3 : i32
    %dma_wait3A_418 = arith.constant 0 : i32
    %dma_wait3A_419 = tpu.memref_slice %arg2[%dma_wait3A_417, %add3A_397, %dma_wait3A_418] : memref<4x4096x1024xf32, #tpu.memory_space<hbm>> -> memref<1x32x1024xf32, #tpu.memory_space<hbm>>
    %dma_wait3A_420 = tpu.memref_squeeze %dma_wait3A_419 : memref<1x32x1024xf32, #tpu.memory_space<hbm>> -> memref<32x1024xf32, #tpu.memory_space<hbm>>
    %dma_wait3A_421 = arith.constant 0 : i32
    %dma_wait3A_422 = tpu.memref_slice %arg2[%dma_wait3A_417, %add3A_397, %dma_wait3A_421] : memref<4x4096x1024xf32, #tpu.memory_space<hbm>> -> memref<1x32x1024xf32, #tpu.memory_space<hbm>>
    %dma_wait3A_423 = tpu.memref_squeeze %dma_wait3A_422 : memref<1x32x1024xf32, #tpu.memory_space<hbm>> -> memref<32x1024xf32, #tpu.memory_space<hbm>>
    tpu.wait_dma2 semaphore(%arg9 : memref<!tpu.dma_semaphore, #tpu.memory_space<semaphore_mem>>) src(%dma_wait3A_423 : memref<32x1024xf32, #tpu.memory_space<hbm>>) dst(%arg6 : memref<32x1024xf32, #tpu.memory_space<vmem>>)
    %dma_wait3A_424 = arith.constant 2 : i32
    %dma_wait3A_425 = arith.constant 0 : i32
    %dma_wait3A_426 = tpu.memref_slice %arg4[%dma_wait3A_424, %add3A_409, %dma_wait3A_425] : memref<4x4096x1024xf32, #tpu.memory_space<hbm>> -> memref<1x32x1024xf32, #tpu.memory_space<hbm>>
    %dma_wait3A_427 = tpu.memref_squeeze %dma_wait3A_426 : memref<1x32x1024xf32, #tpu.memory_space<hbm>> -> memref<32x1024xf32, #tpu.memory_space<hbm>>
    %dma_wait3A_428 = arith.constant 0 : i32
    %dma_wait3A_429 = tpu.memref_slice %arg4[%dma_wait3A_424, %add3A_409, %dma_wait3A_428] : memref<4x4096x1024xf32, #tpu.memory_space<hbm>> -> memref<1x32x1024xf32, #tpu.memory_space<hbm>>
    %dma_wait3A_430 = tpu.memref_squeeze %dma_wait3A_429 : memref<1x32x1024xf32, #tpu.memory_space<hbm>> -> memref<32x1024xf32, #tpu.memory_space<hbm>>
    tpu.wait_dma2 semaphore(%arg10 : memref<!tpu.dma_semaphore, #tpu.memory_space<semaphore_mem>>) src(%arg5 : memref<32x1024xf32, #tpu.memory_space<vmem>>) dst(%dma_wait3A_430 : memref<32x1024xf32, #tpu.memory_space<hbm>>)
    %add3A_431 = arith.constant 96 : i32
    %add3A_432 = arith.addi %mul3A_2, %add3A_431 : i32
    %dma_start3A_433 = arith.constant 0 : i32
    %dma_start3A_434 = arith.constant 0 : i32
    %dma_start3A_435 = tpu.memref_slice %arg2[%dma_start3A_433, %add3A_432, %dma_start3A_434] : memref<4x4096x1024xf32, #tpu.memory_space<hbm>> -> memref<1x32x1024xf32, #tpu.memory_space<hbm>>
    %dma_start3A_436 = tpu.memref_squeeze %dma_start3A_435 : memref<1x32x1024xf32, #tpu.memory_space<hbm>> -> memref<32x1024xf32, #tpu.memory_space<hbm>>
    %dma_start3A_437 = arith.constant 0 : i32
    %dma_start3A_438 = tpu.memref_slice %arg2[%dma_start3A_433, %add3A_432, %dma_start3A_437] : memref<4x4096x1024xf32, #tpu.memory_space<hbm>> -> memref<1x32x1024xf32, #tpu.memory_space<hbm>>
    %dma_start3A_439 = tpu.memref_squeeze %dma_start3A_438 : memref<1x32x1024xf32, #tpu.memory_space<hbm>> -> memref<32x1024xf32, #tpu.memory_space<hbm>>
    tpu.enqueue_dma source(%dma_start3A_439 : memref<32x1024xf32, #tpu.memory_space<hbm>>) target(%arg5 : memref<32x1024xf32, #tpu.memory_space<vmem>>) target_semaphore(%arg8 : memref<!tpu.dma_semaphore, #tpu.memory_space<semaphore_mem>>)
    %parallel_loop3A_440 = arith.constant 0 : i32
    %parallel_loop3A_441 = arith.constant 32768 : i32
    %parallel_loop3A_442 = arith.constant 16 : i32
    scf.for %parallel_loop3A_600 = %parallel_loop3A_440 to %parallel_loop3A_441 step %parallel_loop3A_442  : i32 {
      %parallel_loop3A_601 = arith.constant 10 : i32
      %parallel_loop3A_602 = arith.shrui %parallel_loop3A_600, %parallel_loop3A_601 : i32
      %parallel_loop3A_603 = arith.constant 1023 : i32
      %parallel_loop3A_604 = arith.andi %parallel_loop3A_600, %parallel_loop3A_603 : i32
      %parallel_loop3A_605 = tpu.assume_multiple %parallel_loop3A_604, 16 : i32
      %parallel_loop3A_606 = arith.index_cast %parallel_loop3A_602 : i32 to index
      %parallel_loop3A_607 = arith.index_cast %parallel_loop3A_605 : i32 to index
      %parallel_loop3A_608 = tpu.vector_load %arg7[%parallel_loop3A_606, %parallel_loop3A_607] {strides = array<i32>} : memref<32x1024xf32, #tpu.memory_space<vmem>>, vector<1x16xf32>,
      %parallel_loop3A_609 = vector.shape_cast %parallel_loop3A_608 : vector<1x16xf32> to vector<16xf32>
      %parallel_loop3A_610 = arith.index_cast %parallel_loop3A_602 : i32 to index
      %parallel_loop3A_611 = arith.index_cast %parallel_loop3A_605 : i32 to index
      %parallel_loop3A_612 = tpu.vector_load %arg6[%parallel_loop3A_610, %parallel_loop3A_611] {strides = array<i32>} : memref<32x1024xf32, #tpu.memory_space<vmem>>, vector<1x16xf32>,
      %parallel_loop3A_613 = vector.shape_cast %parallel_loop3A_612 : vector<1x16xf32> to vector<16xf32>
      %parallel_loop3A_614 = vector.shape_cast %parallel_loop3A_609 : vector<16xf32> to vector<1x16xf32>
      tpu.vector_store %arg6[%parallel_loop3A_610, %parallel_loop3A_611], %parallel_loop3A_614 {add = true, strides = array<i32>} : memref<32x1024xf32, #tpu.memory_space<vmem>>, vector<1x16xf32>,
    } {sc.loop_unroll_factor = 8 : i64, sc.parallel_access}
    %add3A_443 = arith.constant 96 : i32
    %add3A_444 = arith.addi %mul3A_2, %add3A_443 : i32
    %dma_start3A_445 = arith.constant 0 : i32
    %dma_start3A_446 = tpu.memref_slice %arg3[%add3A_444, %dma_start3A_445] : memref<8192x1024xf32, #tpu.memory_space<hbm>> -> memref<32x1024xf32, #tpu.memory_space<hbm>>
    %dma_start3A_447 = arith.constant 0 : i32
    %dma_start3A_448 = tpu.memref_slice %arg3[%add3A_444, %dma_start3A_447] : memref<8192x1024xf32, #tpu.memory_space<hbm>> -> memref<32x1024xf32, #tpu.memory_space<hbm>>
    tpu.enqueue_dma source(%dma_start3A_448 : memref<32x1024xf32, #tpu.memory_space<hbm>>) target(%arg7 : memref<32x1024xf32, #tpu.memory_space<vmem>>) target_semaphore(%arg12 : memref<!tpu.dma_semaphore, #tpu.memory_space<semaphore_mem>>)
    %add3A_449 = arith.constant 64 : i32
    %add3A_450 = arith.addi %mul3A_2, %add3A_449 : i32
    %dma_start3A_451 = arith.constant 3 : i32
    %dma_start3A_452 = arith.constant 0 : i32
    %dma_start3A_453 = tpu.memref_slice %arg4[%dma_start3A_451, %add3A_450, %dma_start3A_452] : memref<4x4096x1024xf32, #tpu.memory_space<hbm>> -> memref<1x32x1024xf32, #tpu.memory_space<hbm>>
    %dma_start3A_454 = tpu.memref_squeeze %dma_start3A_453 : memref<1x32x1024xf32, #tpu.memory_space<hbm>> -> memref<32x1024xf32, #tpu.memory_space<hbm>>
    %dma_start3A_455 = arith.constant 0 : i32
    %dma_start3A_456 = tpu.memref_slice %arg4[%dma_start3A_451, %add3A_450, %dma_start3A_455] : memref<4x4096x1024xf32, #tpu.memory_space<hbm>> -> memref<1x32x1024xf32, #tpu.memory_space<hbm>>
    %dma_start3A_457 = tpu.memref_squeeze %dma_start3A_456 : memref<1x32x1024xf32, #tpu.memory_space<hbm>> -> memref<32x1024xf32, #tpu.memory_space<hbm>>
    tpu.enqueue_dma source(%arg6 : memref<32x1024xf32, #tpu.memory_space<vmem>>) target(%dma_start3A_457 : memref<32x1024xf32, #tpu.memory_space<hbm>>) target_semaphore(%arg11 : memref<!tpu.dma_semaphore, #tpu.memory_space<semaphore_mem>>)
    %dma_wait3A_458 = arith.constant 0 : i32
    %dma_wait3A_459 = tpu.memref_slice %arg3[%add3A_444, %dma_wait3A_458] : memref<8192x1024xf32, #tpu.memory_space<hbm>> -> memref<32x1024xf32, #tpu.memory_space<hbm>>
    %dma_wait3A_460 = arith.constant 0 : i32
    %dma_wait3A_461 = tpu.memref_slice %arg3[%add3A_444, %dma_wait3A_460] : memref<8192x1024xf32, #tpu.memory_space<hbm>> -> memref<32x1024xf32, #tpu.memory_space<hbm>>
    tpu.wait_dma2 semaphore(%arg12 : memref<!tpu.dma_semaphore, #tpu.memory_space<semaphore_mem>>) src(%dma_wait3A_461 : memref<32x1024xf32, #tpu.memory_space<hbm>>) dst(%arg7 : memref<32x1024xf32, #tpu.memory_space<vmem>>)
    %dma_wait3A_462 = arith.constant 0 : i32
    %dma_wait3A_463 = arith.constant 0 : i32
    %dma_wait3A_464 = tpu.memref_slice %arg2[%dma_wait3A_462, %add3A_432, %dma_wait3A_463] : memref<4x4096x1024xf32, #tpu.memory_space<hbm>> -> memref<1x32x1024xf32, #tpu.memory_space<hbm>>
    %dma_wait3A_465 = tpu.memref_squeeze %dma_wait3A_464 : memref<1x32x1024xf32, #tpu.memory_space<hbm>> -> memref<32x1024xf32, #tpu.memory_space<hbm>>
    %dma_wait3A_466 = arith.constant 0 : i32
    %dma_wait3A_467 = tpu.memref_slice %arg2[%dma_wait3A_462, %add3A_432, %dma_wait3A_466] : memref<4x4096x1024xf32, #tpu.memory_space<hbm>> -> memref<1x32x1024xf32, #tpu.memory_space<hbm>>
    %dma_wait3A_468 = tpu.memref_squeeze %dma_wait3A_467 : memref<1x32x1024xf32, #tpu.memory_space<hbm>> -> memref<32x1024xf32, #tpu.memory_space<hbm>>
    tpu.wait_dma2 semaphore(%arg8 : memref<!tpu.dma_semaphore, #tpu.memory_space<semaphore_mem>>) src(%dma_wait3A_468 : memref<32x1024xf32, #tpu.memory_space<hbm>>) dst(%arg5 : memref<32x1024xf32, #tpu.memory_space<vmem>>)
    %dma_wait3A_469 = arith.constant 3 : i32
    %dma_wait3A_470 = arith.constant 0 : i32
    %dma_wait3A_471 = tpu.memref_slice %arg4[%dma_wait3A_469, %add3A_450, %dma_wait3A_470] : memref<4x4096x1024xf32, #tpu.memory_space<hbm>> -> memref<1x32x1024xf32, #tpu.memory_space<hbm>>
    %dma_wait3A_472 = tpu.memref_squeeze %dma_wait3A_471 : memref<1x32x1024xf32, #tpu.memory_space<hbm>> -> memref<32x1024xf32, #tpu.memory_space<hbm>>
    %dma_wait3A_473 = arith.constant 0 : i32
    %dma_wait3A_474 = tpu.memref_slice %arg4[%dma_wait3A_469, %add3A_450, %dma_wait3A_473] : memref<4x4096x1024xf32, #tpu.memory_space<hbm>> -> memref<1x32x1024xf32, #tpu.memory_space<hbm>>
    %dma_wait3A_475 = tpu.memref_squeeze %dma_wait3A_474 : memref<1x32x1024xf32, #tpu.memory_space<hbm>> -> memref<32x1024xf32, #tpu.memory_space<hbm>>
    tpu.wait_dma2 semaphore(%arg11 : memref<!tpu.dma_semaphore, #tpu.memory_space<semaphore_mem>>) src(%arg6 : memref<32x1024xf32, #tpu.memory_space<vmem>>) dst(%dma_wait3A_475 : memref<32x1024xf32, #tpu.memory_space<hbm>>)
    %add3A_476 = arith.constant 96 : i32
    %add3A_477 = arith.addi %mul3A_2, %add3A_476 : i32
    %dma_start3A_478 = arith.constant 1 : i32
    %dma_start3A_479 = arith.constant 0 : i32
    %dma_start3A_480 = tpu.memref_slice %arg2[%dma_start3A_478, %add3A_477, %dma_start3A_479] : memref<4x4096x1024xf32, #tpu.memory_space<hbm>> -> memref<1x32x1024xf32, #tpu.memory_space<hbm>>
    %dma_start3A_481 = tpu.memref_squeeze %dma_start3A_480 : memref<1x32x1024xf32, #tpu.memory_space<hbm>> -> memref<32x1024xf32, #tpu.memory_space<hbm>>
    %dma_start3A_482 = arith.constant 0 : i32
    %dma_start3A_483 = tpu.memref_slice %arg2[%dma_start3A_478, %add3A_477, %dma_start3A_482] : memref<4x4096x1024xf32, #tpu.memory_space<hbm>> -> memref<1x32x1024xf32, #tpu.memory_space<hbm>>
    %dma_start3A_484 = tpu.memref_squeeze %dma_start3A_483 : memref<1x32x1024xf32, #tpu.memory_space<hbm>> -> memref<32x1024xf32, #tpu.memory_space<hbm>>
    tpu.enqueue_dma source(%dma_start3A_484 : memref<32x1024xf32, #tpu.memory_space<hbm>>) target(%arg6 : memref<32x1024xf32, #tpu.memory_space<vmem>>) target_semaphore(%arg9 : memref<!tpu.dma_semaphore, #tpu.memory_space<semaphore_mem>>)
    %parallel_loop3A_485 = arith.constant 0 : i32
    %parallel_loop3A_486 = arith.constant 32768 : i32
    %parallel_loop3A_487 = arith.constant 16 : i32
    scf.for %parallel_loop3A_600 = %parallel_loop3A_485 to %parallel_loop3A_486 step %parallel_loop3A_487  : i32 {
      %parallel_loop3A_601 = arith.constant 10 : i32
      %parallel_loop3A_602 = arith.shrui %parallel_loop3A_600, %parallel_loop3A_601 : i32
      %parallel_loop3A_603 = arith.constant 1023 : i32
      %parallel_loop3A_604 = arith.andi %parallel_loop3A_600, %parallel_loop3A_603 : i32
      %parallel_loop3A_605 = tpu.assume_multiple %parallel_loop3A_604, 16 : i32
      %parallel_loop3A_606 = arith.index_cast %parallel_loop3A_602 : i32 to index
      %parallel_loop3A_607 = arith.index_cast %parallel_loop3A_605 : i32 to index
      %parallel_loop3A_608 = tpu.vector_load %arg7[%parallel_loop3A_606, %parallel_loop3A_607] {strides = array<i32>} : memref<32x1024xf32, #tpu.memory_space<vmem>>, vector<1x16xf32>,
      %parallel_loop3A_609 = vector.shape_cast %parallel_loop3A_608 : vector<1x16xf32> to vector<16xf32>
      %parallel_loop3A_610 = arith.index_cast %parallel_loop3A_602 : i32 to index
      %parallel_loop3A_611 = arith.index_cast %parallel_loop3A_605 : i32 to index
      %parallel_loop3A_612 = tpu.vector_load %arg5[%parallel_loop3A_610, %parallel_loop3A_611] {strides = array<i32>} : memref<32x1024xf32, #tpu.memory_space<vmem>>, vector<1x16xf32>,
      %parallel_loop3A_613 = vector.shape_cast %parallel_loop3A_612 : vector<1x16xf32> to vector<16xf32>
      %parallel_loop3A_614 = vector.shape_cast %parallel_loop3A_609 : vector<16xf32> to vector<1x16xf32>
      tpu.vector_store %arg5[%parallel_loop3A_610, %parallel_loop3A_611], %parallel_loop3A_614 {add = true, strides = array<i32>} : memref<32x1024xf32, #tpu.memory_space<vmem>>, vector<1x16xf32>,
    } {sc.loop_unroll_factor = 8 : i64, sc.parallel_access}
    %add3A_488 = arith.constant 96 : i32
    %add3A_489 = arith.addi %mul3A_2, %add3A_488 : i32
    %dma_start3A_490 = arith.constant 0 : i32
    %dma_start3A_491 = arith.constant 0 : i32
    %dma_start3A_492 = tpu.memref_slice %arg4[%dma_start3A_490, %add3A_489, %dma_start3A_491] : memref<4x4096x1024xf32, #tpu.memory_space<hbm>> -> memref<1x32x1024xf32, #tpu.memory_space<hbm>>
    %dma_start3A_493 = tpu.memref_squeeze %dma_start3A_492 : memref<1x32x1024xf32, #tpu.memory_space<hbm>> -> memref<32x1024xf32, #tpu.memory_space<hbm>>
    %dma_start3A_494 = arith.constant 0 : i32
    %dma_start3A_495 = tpu.memref_slice %arg4[%dma_start3A_490, %add3A_489, %dma_start3A_494] : memref<4x4096x1024xf32, #tpu.memory_space<hbm>> -> memref<1x32x1024xf32, #tpu.memory_space<hbm>>
    %dma_start3A_496 = tpu.memref_squeeze %dma_start3A_495 : memref<1x32x1024xf32, #tpu.memory_space<hbm>> -> memref<32x1024xf32, #tpu.memory_space<hbm>>
    tpu.enqueue_dma source(%arg5 : memref<32x1024xf32, #tpu.memory_space<vmem>>) target(%dma_start3A_496 : memref<32x1024xf32, #tpu.memory_space<hbm>>) target_semaphore(%arg10 : memref<!tpu.dma_semaphore, #tpu.memory_space<semaphore_mem>>)
    %dma_wait3A_497 = arith.constant 1 : i32
    %dma_wait3A_498 = arith.constant 0 : i32
    %dma_wait3A_499 = tpu.memref_slice %arg2[%dma_wait3A_497, %add3A_477, %dma_wait3A_498] : memref<4x4096x1024xf32, #tpu.memory_space<hbm>> -> memref<1x32x1024xf32, #tpu.memory_space<hbm>>
    %dma_wait3A_500 = tpu.memref_squeeze %dma_wait3A_499 : memref<1x32x1024xf32, #tpu.memory_space<hbm>> -> memref<32x1024xf32, #tpu.memory_space<hbm>>
    %dma_wait3A_501 = arith.constant 0 : i32
    %dma_wait3A_502 = tpu.memref_slice %arg2[%dma_wait3A_497, %add3A_477, %dma_wait3A_501] : memref<4x4096x1024xf32, #tpu.memory_space<hbm>> -> memref<1x32x1024xf32, #tpu.memory_space<hbm>>
    %dma_wait3A_503 = tpu.memref_squeeze %dma_wait3A_502 : memref<1x32x1024xf32, #tpu.memory_space<hbm>> -> memref<32x1024xf32, #tpu.memory_space<hbm>>
    tpu.wait_dma2 semaphore(%arg9 : memref<!tpu.dma_semaphore, #tpu.memory_space<semaphore_mem>>) src(%dma_wait3A_503 : memref<32x1024xf32, #tpu.memory_space<hbm>>) dst(%arg6 : memref<32x1024xf32, #tpu.memory_space<vmem>>)
    %dma_wait3A_504 = arith.constant 0 : i32
    %dma_wait3A_505 = arith.constant 0 : i32
    %dma_wait3A_506 = tpu.memref_slice %arg4[%dma_wait3A_504, %add3A_489, %dma_wait3A_505] : memref<4x4096x1024xf32, #tpu.memory_space<hbm>> -> memref<1x32x1024xf32, #tpu.memory_space<hbm>>
    %dma_wait3A_507 = tpu.memref_squeeze %dma_wait3A_506 : memref<1x32x1024xf32, #tpu.memory_space<hbm>> -> memref<32x1024xf32, #tpu.memory_space<hbm>>
    %dma_wait3A_508 = arith.constant 0 : i32
    %dma_wait3A_509 = tpu.memref_slice %arg4[%dma_wait3A_504, %add3A_489, %dma_wait3A_508] : memref<4x4096x1024xf32, #tpu.memory_space<hbm>> -> memref<1x32x1024xf32, #tpu.memory_space<hbm>>
    %dma_wait3A_510 = tpu.memref_squeeze %dma_wait3A_509 : memref<1x32x1024xf32, #tpu.memory_space<hbm>> -> memref<32x1024xf32, #tpu.memory_space<hbm>>
    tpu.wait_dma2 semaphore(%arg10 : memref<!tpu.dma_semaphore, #tpu.memory_space<semaphore_mem>>) src(%arg5 : memref<32x1024xf32, #tpu.memory_space<vmem>>) dst(%dma_wait3A_510 : memref<32x1024xf32, #tpu.memory_space<hbm>>)
    %add3A_511 = arith.constant 96 : i32
    %add3A_512 = arith.addi %mul3A_2, %add3A_511 : i32
    %dma_start3A_513 = arith.constant 2 : i32
    %dma_start3A_514 = arith.constant 0 : i32
    %dma_start3A_515 = tpu.memref_slice %arg2[%dma_start3A_513, %add3A_512, %dma_start3A_514] : memref<4x4096x1024xf32, #tpu.memory_space<hbm>> -> memref<1x32x1024xf32, #tpu.memory_space<hbm>>
    %dma_start3A_516 = tpu.memref_squeeze %dma_start3A_515 : memref<1x32x1024xf32, #tpu.memory_space<hbm>> -> memref<32x1024xf32, #tpu.memory_space<hbm>>
    %dma_start3A_517 = arith.constant 0 : i32
    %dma_start3A_518 = tpu.memref_slice %arg2[%dma_start3A_513, %add3A_512, %dma_start3A_517] : memref<4x4096x1024xf32, #tpu.memory_space<hbm>> -> memref<1x32x1024xf32, #tpu.memory_space<hbm>>
    %dma_start3A_519 = tpu.memref_squeeze %dma_start3A_518 : memref<1x32x1024xf32, #tpu.memory_space<hbm>> -> memref<32x1024xf32, #tpu.memory_space<hbm>>
    tpu.enqueue_dma source(%dma_start3A_519 : memref<32x1024xf32, #tpu.memory_space<hbm>>) target(%arg5 : memref<32x1024xf32, #tpu.memory_space<vmem>>) target_semaphore(%arg8 : memref<!tpu.dma_semaphore, #tpu.memory_space<semaphore_mem>>)
    %parallel_loop3A_520 = arith.constant 0 : i32
    %parallel_loop3A_521 = arith.constant 32768 : i32
    %parallel_loop3A_522 = arith.constant 16 : i32
    scf.for %parallel_loop3A_600 = %parallel_loop3A_520 to %parallel_loop3A_521 step %parallel_loop3A_522  : i32 {
      %parallel_loop3A_601 = arith.constant 10 : i32
      %parallel_loop3A_602 = arith.shrui %parallel_loop3A_600, %parallel_loop3A_601 : i32
      %parallel_loop3A_603 = arith.constant 1023 : i32
      %parallel_loop3A_604 = arith.andi %parallel_loop3A_600, %parallel_loop3A_603 : i32
      %parallel_loop3A_605 = tpu.assume_multiple %parallel_loop3A_604, 16 : i32
      %parallel_loop3A_606 = arith.index_cast %parallel_loop3A_602 : i32 to index
      %parallel_loop3A_607 = arith.index_cast %parallel_loop3A_605 : i32 to index
      %parallel_loop3A_608 = tpu.vector_load %arg7[%parallel_loop3A_606, %parallel_loop3A_607] {strides = array<i32>} : memref<32x1024xf32, #tpu.memory_space<vmem>>, vector<1x16xf32>,
      %parallel_loop3A_609 = vector.shape_cast %parallel_loop3A_608 : vector<1x16xf32> to vector<16xf32>
      %parallel_loop3A_610 = arith.index_cast %parallel_loop3A_602 : i32 to index
      %parallel_loop3A_611 = arith.index_cast %parallel_loop3A_605 : i32 to index
      %parallel_loop3A_612 = tpu.vector_load %arg6[%parallel_loop3A_610, %parallel_loop3A_611] {strides = array<i32>} : memref<32x1024xf32, #tpu.memory_space<vmem>>, vector<1x16xf32>,
      %parallel_loop3A_613 = vector.shape_cast %parallel_loop3A_612 : vector<1x16xf32> to vector<16xf32>
      %parallel_loop3A_614 = vector.shape_cast %parallel_loop3A_609 : vector<16xf32> to vector<1x16xf32>
      tpu.vector_store %arg6[%parallel_loop3A_610, %parallel_loop3A_611], %parallel_loop3A_614 {add = true, strides = array<i32>} : memref<32x1024xf32, #tpu.memory_space<vmem>>, vector<1x16xf32>,
    } {sc.loop_unroll_factor = 8 : i64, sc.parallel_access}
    %add3A_523 = arith.constant 96 : i32
    %add3A_524 = arith.addi %mul3A_2, %add3A_523 : i32
    %dma_start3A_525 = arith.constant 1 : i32
    %dma_start3A_526 = arith.constant 0 : i32
    %dma_start3A_527 = tpu.memref_slice %arg4[%dma_start3A_525, %add3A_524, %dma_start3A_526] : memref<4x4096x1024xf32, #tpu.memory_space<hbm>> -> memref<1x32x1024xf32, #tpu.memory_space<hbm>>
    %dma_start3A_528 = tpu.memref_squeeze %dma_start3A_527 : memref<1x32x1024xf32, #tpu.memory_space<hbm>> -> memref<32x1024xf32, #tpu.memory_space<hbm>>
    %dma_start3A_529 = arith.constant 0 : i32
    %dma_start3A_530 = tpu.memref_slice %arg4[%dma_start3A_525, %add3A_524, %dma_start3A_529] : memref<4x4096x1024xf32, #tpu.memory_space<hbm>> -> memref<1x32x1024xf32, #tpu.memory_space<hbm>>
    %dma_start3A_531 = tpu.memref_squeeze %dma_start3A_530 : memref<1x32x1024xf32, #tpu.memory_space<hbm>> -> memref<32x1024xf32, #tpu.memory_space<hbm>>
    tpu.enqueue_dma source(%arg6 : memref<32x1024xf32, #tpu.memory_space<vmem>>) target(%dma_start3A_531 : memref<32x1024xf32, #tpu.memory_space<hbm>>) target_semaphore(%arg11 : memref<!tpu.dma_semaphore, #tpu.memory_space<semaphore_mem>>)
    %dma_wait3A_532 = arith.constant 2 : i32
    %dma_wait3A_533 = arith.constant 0 : i32
    %dma_wait3A_534 = tpu.memref_slice %arg2[%dma_wait3A_532, %add3A_512, %dma_wait3A_533] : memref<4x4096x1024xf32, #tpu.memory_space<hbm>> -> memref<1x32x1024xf32, #tpu.memory_space<hbm>>
    %dma_wait3A_535 = tpu.memref_squeeze %dma_wait3A_534 : memref<1x32x1024xf32, #tpu.memory_space<hbm>> -> memref<32x1024xf32, #tpu.memory_space<hbm>>
    %dma_wait3A_536 = arith.constant 0 : i32
    %dma_wait3A_537 = tpu.memref_slice %arg2[%dma_wait3A_532, %add3A_512, %dma_wait3A_536] : memref<4x4096x1024xf32, #tpu.memory_space<hbm>> -> memref<1x32x1024xf32, #tpu.memory_space<hbm>>
    %dma_wait3A_538 = tpu.memref_squeeze %dma_wait3A_537 : memref<1x32x1024xf32, #tpu.memory_space<hbm>> -> memref<32x1024xf32, #tpu.memory_space<hbm>>
    tpu.wait_dma2 semaphore(%arg8 : memref<!tpu.dma_semaphore, #tpu.memory_space<semaphore_mem>>) src(%dma_wait3A_538 : memref<32x1024xf32, #tpu.memory_space<hbm>>) dst(%arg5 : memref<32x1024xf32, #tpu.memory_space<vmem>>)
    %dma_wait3A_539 = arith.constant 1 : i32
    %dma_wait3A_540 = arith.constant 0 : i32
    %dma_wait3A_541 = tpu.memref_slice %arg4[%dma_wait3A_539, %add3A_524, %dma_wait3A_540] : memref<4x4096x1024xf32, #tpu.memory_space<hbm>> -> memref<1x32x1024xf32, #tpu.memory_space<hbm>>
    %dma_wait3A_542 = tpu.memref_squeeze %dma_wait3A_541 : memref<1x32x1024xf32, #tpu.memory_space<hbm>> -> memref<32x1024xf32, #tpu.memory_space<hbm>>
    %dma_wait3A_543 = arith.constant 0 : i32
    %dma_wait3A_544 = tpu.memref_slice %arg4[%dma_wait3A_539, %add3A_524, %dma_wait3A_543] : memref<4x4096x1024xf32, #tpu.memory_space<hbm>> -> memref<1x32x1024xf32, #tpu.memory_space<hbm>>
    %dma_wait3A_545 = tpu.memref_squeeze %dma_wait3A_544 : memref<1x32x1024xf32, #tpu.memory_space<hbm>> -> memref<32x1024xf32, #tpu.memory_space<hbm>>
    tpu.wait_dma2 semaphore(%arg11 : memref<!tpu.dma_semaphore, #tpu.memory_space<semaphore_mem>>) src(%arg6 : memref<32x1024xf32, #tpu.memory_space<vmem>>) dst(%dma_wait3A_545 : memref<32x1024xf32, #tpu.memory_space<hbm>>)
    %add3A_546 = arith.constant 96 : i32
    %add3A_547 = arith.addi %mul3A_2, %add3A_546 : i32
    %dma_start3A_548 = arith.constant 3 : i32
    %dma_start3A_549 = arith.constant 0 : i32
    %dma_start3A_550 = tpu.memref_slice %arg2[%dma_start3A_548, %add3A_547, %dma_start3A_549] : memref<4x4096x1024xf32, #tpu.memory_space<hbm>> -> memref<1x32x1024xf32, #tpu.memory_space<hbm>>
    %dma_start3A_551 = tpu.memref_squeeze %dma_start3A_550 : memref<1x32x1024xf32, #tpu.memory_space<hbm>> -> memref<32x1024xf32, #tpu.memory_space<hbm>>
    %dma_start3A_552 = arith.constant 0 : i32
    %dma_start3A_553 = tpu.memref_slice %arg2[%dma_start3A_548, %add3A_547, %dma_start3A_552] : memref<4x4096x1024xf32, #tpu.memory_space<hbm>> -> memref<1x32x1024xf32, #tpu.memory_space<hbm>>
    %dma_start3A_554 = tpu.memref_squeeze %dma_start3A_553 : memref<1x32x1024xf32, #tpu.memory_space<hbm>> -> memref<32x1024xf32, #tpu.memory_space<hbm>>
    tpu.enqueue_dma source(%dma_start3A_554 : memref<32x1024xf32, #tpu.memory_space<hbm>>) target(%arg6 : memref<32x1024xf32, #tpu.memory_space<vmem>>) target_semaphore(%arg9 : memref<!tpu.dma_semaphore, #tpu.memory_space<semaphore_mem>>)
    %parallel_loop3A_555 = arith.constant 0 : i32
    %parallel_loop3A_556 = arith.constant 32768 : i32
    %parallel_loop3A_557 = arith.constant 16 : i32
    scf.for %parallel_loop3A_600 = %parallel_loop3A_555 to %parallel_loop3A_556 step %parallel_loop3A_557  : i32 {
      %parallel_loop3A_601 = arith.constant 10 : i32
      %parallel_loop3A_602 = arith.shrui %parallel_loop3A_600, %parallel_loop3A_601 : i32
      %parallel_loop3A_603 = arith.constant 1023 : i32
      %parallel_loop3A_604 = arith.andi %parallel_loop3A_600, %parallel_loop3A_603 : i32
      %parallel_loop3A_605 = tpu.assume_multiple %parallel_loop3A_604, 16 : i32
      %parallel_loop3A_606 = arith.index_cast %parallel_loop3A_602 : i32 to index
      %parallel_loop3A_607 = arith.index_cast %parallel_loop3A_605 : i32 to index
      %parallel_loop3A_608 = tpu.vector_load %arg7[%parallel_loop3A_606, %parallel_loop3A_607] {strides = array<i32>} : memref<32x1024xf32, #tpu.memory_space<vmem>>, vector<1x16xf32>,
      %parallel_loop3A_609 = vector.shape_cast %parallel_loop3A_608 : vector<1x16xf32> to vector<16xf32>
      %parallel_loop3A_610 = arith.index_cast %parallel_loop3A_602 : i32 to index
      %parallel_loop3A_611 = arith.index_cast %parallel_loop3A_605 : i32 to index
      %parallel_loop3A_612 = tpu.vector_load %arg5[%parallel_loop3A_610, %parallel_loop3A_611] {strides = array<i32>} : memref<32x1024xf32, #tpu.memory_space<vmem>>, vector<1x16xf32>,
      %parallel_loop3A_613 = vector.shape_cast %parallel_loop3A_612 : vector<1x16xf32> to vector<16xf32>
      %parallel_loop3A_614 = vector.shape_cast %parallel_loop3A_609 : vector<16xf32> to vector<1x16xf32>
      tpu.vector_store %arg5[%parallel_loop3A_610, %parallel_loop3A_611], %parallel_loop3A_614 {add = true, strides = array<i32>} : memref<32x1024xf32, #tpu.memory_space<vmem>>, vector<1x16xf32>,
    } {sc.loop_unroll_factor = 8 : i64, sc.parallel_access}
    %add3A_558 = arith.constant 96 : i32
    %add3A_559 = arith.addi %mul3A_2, %add3A_558 : i32
    %dma_start3A_560 = arith.constant 2 : i32
    %dma_start3A_561 = arith.constant 0 : i32
    %dma_start3A_562 = tpu.memref_slice %arg4[%dma_start3A_560, %add3A_559, %dma_start3A_561] : memref<4x4096x1024xf32, #tpu.memory_space<hbm>> -> memref<1x32x1024xf32, #tpu.memory_space<hbm>>
    %dma_start3A_563 = tpu.memref_squeeze %dma_start3A_562 : memref<1x32x1024xf32, #tpu.memory_space<hbm>> -> memref<32x1024xf32, #tpu.memory_space<hbm>>
    %dma_start3A_564 = arith.constant 0 : i32
    %dma_start3A_565 = tpu.memref_slice %arg4[%dma_start3A_560, %add3A_559, %dma_start3A_564] : memref<4x4096x1024xf32, #tpu.memory_space<hbm>> -> memref<1x32x1024xf32, #tpu.memory_space<hbm>>
    %dma_start3A_566 = tpu.memref_squeeze %dma_start3A_565 : memref<1x32x1024xf32, #tpu.memory_space<hbm>> -> memref<32x1024xf32, #tpu.memory_space<hbm>>
    tpu.enqueue_dma source(%arg5 : memref<32x1024xf32, #tpu.memory_space<vmem>>) target(%dma_start3A_566 : memref<32x1024xf32, #tpu.memory_space<hbm>>) target_semaphore(%arg10 : memref<!tpu.dma_semaphore, #tpu.memory_space<semaphore_mem>>)
    %dma_wait3A_567 = arith.constant 3 : i32
    %dma_wait3A_568 = arith.constant 0 : i32
    %dma_wait3A_569 = tpu.memref_slice %arg2[%dma_wait3A_567, %add3A_547, %dma_wait3A_568] : memref<4x4096x1024xf32, #tpu.memory_space<hbm>> -> memref<1x32x1024xf32, #tpu.memory_space<hbm>>
    %dma_wait3A_570 = tpu.memref_squeeze %dma_wait3A_569 : memref<1x32x1024xf32, #tpu.memory_space<hbm>> -> memref<32x1024xf32, #tpu.memory_space<hbm>>
    %dma_wait3A_571 = arith.constant 0 : i32
    %dma_wait3A_572 = tpu.memref_slice %arg2[%dma_wait3A_567, %add3A_547, %dma_wait3A_571] : memref<4x4096x1024xf32, #tpu.memory_space<hbm>> -> memref<1x32x1024xf32, #tpu.memory_space<hbm>>
    %dma_wait3A_573 = tpu.memref_squeeze %dma_wait3A_572 : memref<1x32x1024xf32, #tpu.memory_space<hbm>> -> memref<32x1024xf32, #tpu.memory_space<hbm>>
    tpu.wait_dma2 semaphore(%arg9 : memref<!tpu.dma_semaphore, #tpu.memory_space<semaphore_mem>>) src(%dma_wait3A_573 : memref<32x1024xf32, #tpu.memory_space<hbm>>) dst(%arg6 : memref<32x1024xf32, #tpu.memory_space<vmem>>)
    %parallel_loop3A_574 = arith.constant 0 : i32
    %parallel_loop3A_575 = arith.constant 32768 : i32
    %parallel_loop3A_576 = arith.constant 16 : i32
    scf.for %parallel_loop3A_600 = %parallel_loop3A_574 to %parallel_loop3A_575 step %parallel_loop3A_576  : i32 {
      %parallel_loop3A_601 = arith.constant 10 : i32
      %parallel_loop3A_602 = arith.shrui %parallel_loop3A_600, %parallel_loop3A_601 : i32
      %parallel_loop3A_603 = arith.constant 1023 : i32
      %parallel_loop3A_604 = arith.andi %parallel_loop3A_600, %parallel_loop3A_603 : i32
      %parallel_loop3A_605 = tpu.assume_multiple %parallel_loop3A_604, 16 : i32
      %parallel_loop3A_606 = arith.index_cast %parallel_loop3A_602 : i32 to index
      %parallel_loop3A_607 = arith.index_cast %parallel_loop3A_605 : i32 to index
      %parallel_loop3A_608 = tpu.vector_load %arg7[%parallel_loop3A_606, %parallel_loop3A_607] {strides = array<i32>} : memref<32x1024xf32, #tpu.memory_space<vmem>>, vector<1x16xf32>,
      %parallel_loop3A_609 = vector.shape_cast %parallel_loop3A_608 : vector<1x16xf32> to vector<16xf32>
      %parallel_loop3A_610 = arith.index_cast %parallel_loop3A_602 : i32 to index
      %parallel_loop3A_611 = arith.index_cast %parallel_loop3A_605 : i32 to index
      %parallel_loop3A_612 = tpu.vector_load %arg6[%parallel_loop3A_610, %parallel_loop3A_611] {strides = array<i32>} : memref<32x1024xf32, #tpu.memory_space<vmem>>, vector<1x16xf32>,
      %parallel_loop3A_613 = vector.shape_cast %parallel_loop3A_612 : vector<1x16xf32> to vector<16xf32>
      %parallel_loop3A_614 = vector.shape_cast %parallel_loop3A_609 : vector<16xf32> to vector<1x16xf32>
      tpu.vector_store %arg6[%parallel_loop3A_610, %parallel_loop3A_611], %parallel_loop3A_614 {add = true, strides = array<i32>} : memref<32x1024xf32, #tpu.memory_space<vmem>>, vector<1x16xf32>,
    } {sc.loop_unroll_factor = 8 : i64, sc.parallel_access}
    %add3A_577 = arith.constant 96 : i32
    %add3A_578 = arith.addi %mul3A_2, %add3A_577 : i32
    %dma_start3A_579 = arith.constant 3 : i32
    %dma_start3A_580 = arith.constant 0 : i32
    %dma_start3A_581 = tpu.memref_slice %arg4[%dma_start3A_579, %add3A_578, %dma_start3A_580] : memref<4x4096x1024xf32, #tpu.memory_space<hbm>> -> memref<1x32x1024xf32, #tpu.memory_space<hbm>>
    %dma_start3A_582 = tpu.memref_squeeze %dma_start3A_581 : memref<1x32x1024xf32, #tpu.memory_space<hbm>> -> memref<32x1024xf32, #tpu.memory_space<hbm>>
    %dma_start3A_583 = arith.constant 0 : i32
    %dma_start3A_584 = tpu.memref_slice %arg4[%dma_start3A_579, %add3A_578, %dma_start3A_583] : memref<4x4096x1024xf32, #tpu.memory_space<hbm>> -> memref<1x32x1024xf32, #tpu.memory_space<hbm>>
    %dma_start3A_585 = tpu.memref_squeeze %dma_start3A_584 : memref<1x32x1024xf32, #tpu.memory_space<hbm>> -> memref<32x1024xf32, #tpu.memory_space<hbm>>
    tpu.enqueue_dma source(%arg6 : memref<32x1024xf32, #tpu.memory_space<vmem>>) target(%dma_start3A_585 : memref<32x1024xf32, #tpu.memory_space<hbm>>) target_semaphore(%arg11 : memref<!tpu.dma_semaphore, #tpu.memory_space<semaphore_mem>>)
    %dma_wait3A_586 = arith.constant 2 : i32
    %dma_wait3A_587 = arith.constant 0 : i32
    %dma_wait3A_588 = tpu.memref_slice %arg4[%dma_wait3A_586, %add3A_559, %dma_wait3A_587] : memref<4x4096x1024xf32, #tpu.memory_space<hbm>> -> memref<1x32x1024xf32, #tpu.memory_space<hbm>>
    %dma_wait3A_589 = tpu.memref_squeeze %dma_wait3A_588 : memref<1x32x1024xf32, #tpu.memory_space<hbm>> -> memref<32x1024xf32, #tpu.memory_space<hbm>>
    %dma_wait3A_590 = arith.constant 0 : i32
    %dma_wait3A_591 = tpu.memref_slice %arg4[%dma_wait3A_586, %add3A_559, %dma_wait3A_590] : memref<4x4096x1024xf32, #tpu.memory_space<hbm>> -> memref<1x32x1024xf32, #tpu.memory_space<hbm>>
    %dma_wait3A_592 = tpu.memref_squeeze %dma_wait3A_591 : memref<1x32x1024xf32, #tpu.memory_space<hbm>> -> memref<32x1024xf32, #tpu.memory_space<hbm>>
    tpu.wait_dma2 semaphore(%arg10 : memref<!tpu.dma_semaphore, #tpu.memory_space<semaphore_mem>>) src(%arg5 : memref<32x1024xf32, #tpu.memory_space<vmem>>) dst(%dma_wait3A_592 : memref<32x1024xf32, #tpu.memory_space<hbm>>)
    %dma_wait3A_593 = arith.constant 3 : i32
    %dma_wait3A_594 = arith.constant 0 : i32
    %dma_wait3A_595 = tpu.memref_slice %arg4[%dma_wait3A_593, %add3A_578, %dma_wait3A_594] : memref<4x4096x1024xf32, #tpu.memory_space<hbm>> -> memref<1x32x1024xf32, #tpu.memory_space<hbm>>
    %dma_wait3A_596 = tpu.memref_squeeze %dma_wait3A_595 : memref<1x32x1024xf32, #tpu.memory_space<hbm>> -> memref<32x1024xf32, #tpu.memory_space<hbm>>
    %dma_wait3A_597 = arith.constant 0 : i32
    %dma_wait3A_598 = tpu.memref_slice %arg4[%dma_wait3A_593, %add3A_578, %dma_wait3A_597] : memref<4x4096x1024xf32, #tpu.memory_space<hbm>> -> memref<1x32x1024xf32, #tpu.memory_space<hbm>>
    %dma_wait3A_599 = tpu.memref_squeeze %dma_wait3A_598 : memref<1x32x1024xf32, #tpu.memory_space<hbm>> -> memref<32x1024xf32, #tpu.memory_space<hbm>>
    tpu.wait_dma2 semaphore(%arg11 : memref<!tpu.dma_semaphore, #tpu.memory_space<semaphore_mem>>) src(%arg6 : memref<32x1024xf32, #tpu.memory_space<vmem>>) dst(%dma_wait3A_599 : memref<32x1024xf32, #tpu.memory_space<hbm>>)
    return
  }
}

</mosaic_0001>

<sc_bundles>
// kernel: kernel.3.cloned.1.call-start
scs
__scs_entry_jumppad:
0x0: {  	(pc) =	sbr.rel $0x88, $3  }
0x1: {  	(tag) =	ssettag $0x0;
	lr =	simm.s32 $0x1  }
0x2: {  	[smem:$0x3F9F] =	sst lr;
	_ =	strace $0xD0000000  }
0x3: {  	_ = 	snop  }
0x4: {  	_ = 	snop  }
0x5: {  	_ = 	snop  }
0x6: {  	_ = 	snop  }
0x7: {  	_ = 	snop  }
__scs_overlays_trampoline_lowered:
0x8: {  	[smem:$0x3FAE] =	sst s0  }
0x9: {  	[smem:$0x3FAF] =	sst s1  }
0xa: {  	[smem:$0x3FB0] =	sst s2  }
0xb: {  	[smem:$0x3FB1] =	sst s3  }
0xc: {  	[smem:$0x3FB2] =	sst s4  }
0xd: {  	[smem:$0x3FB3] =	sst s5  }
0xe: {  	[smem:$0x3FB4] =	sst s6  }
0xf: {  	[smem:$0x3FB5] =	sst s7  }
0x10: {  	[smem:$0x3FB6] =	sst s8  }
0x11: {  	[smem:$0x3FB7] =	sst s9;
	s0 =	simm.s32 @!p0 $0x0  }
0x12: {  	s1 =	sld [smem:$0x3F9D];
	s0 =	simm.s32 @p0 $0x1  }
0x13: {  	[smem:$0x3FB8] =	sst s0;
	s0 =	simm.s32 @!p1 $0x0  }
0x14: {  	s2 =	sld [smem:$0x3F9C];
	s0 =	simm.s32 @p1 $0x1  }
0x15: {  	[smem:$0x3FB9] =	sst s0;
	s0 =	simm.s32 @!p2 $0x0  }
0x16: {  	s3 =	sld [smem:$0x3FDB];
	s0 =	simm.s32 @p2 $0x1  }
0x17: {  	s4 =	simm.s32 $0x1BF5;
	[smem:$0x3FBB] =	sst s0  }
0x18: {  	s0 =	sld [smem:$0x3F9E];
	_ =	swait.ge [sflag:s4], $0x0  }
0x19: {  	s7 =	sld [smem:$0x3F9F]  }
0x1a: {  	s8 =	sadd.s32 $0xFFFFE003, lr  }
0x1b: {  	s9 =	sadd.s32 $0xFFFFFEF7, lr;
	s5 =	simm.s32 $0xFFFFFFFF;
	p2 =	slt.u32 s8, $0xFFFFF086  }
0x1c: {  	p1 =	slt.u32 s9, $0xF7A;
	s5 =	simm.s32 @!p2 $0x0  }
0x1d: {  	s5 =	simm.s32 @p1 $0x1;
	p0 =	seq.s32 s7, s2  }
0x1e: {  	s7 =	smul.u32 @!p0 $0xF7A, s2;
	p2 =	seq.s32 @!p0 s5, $0x0  }
0x1f: {  	s9 =	smul.u32 $0xF7A, s1;
	s8 =	simm.s32 @!p0 $0x1BF5;
	p2 =	por !p2, p0  }
0x20: {  	[sflag:s8] =	ssyncset.s32 @!p0 $0xFFFFF086;
	s6 =	sadd.s32 @!p0 s3, s7;
	s7 =	simm.s32 @!p0 $0x108  }
0x21: {  	s3 =	sadd.s32 s3, s9;
	s6 =	sadd.s32 @!p0 $0x88, s6;
	s7 =	simm.s32 @p2 $0x1082  }
0x22: {  	[simem:s7], [sflag:s8] =	dma.local @!p0 [hbm:s6], $0xF7A  }
0x23: {  	s9 =	sor.u32 $0xD0000000, s2;
	s6 =	simm.s32 $0x108;
	_ =	swait.ge @!p0 [sflag:s8], $0x0  }
0x24: {  	s3 =	sadd.s32 $0x88, s3;
	s6 =	simm.s32 @!p1 $0x1082;
	[sflag:s4] =	ssyncset.s32 $0xFFFFF086  }
0x25: {  	[simem:s6], [sflag:s4] =	dma.local [hbm:s3], $0xF7A  }
0x26: {  	[smem:$0x3F9F] =	sst s1;
	(tag) =	ssettag s2;
	_ =	strace s9  }
0x27: {  	s1 =	sld [smem:$0x3FAF]  }
0x28: {  	s2 =	sld [smem:$0x3FB0]  }
0x29: {  	s4 =	sld [smem:$0x3FB2]  }
0x2a: {  	p0 =	seq.s32 s5, $0x0;
	s5 =	sld [smem:$0x3FB3]  }
0x2b: {  	s6 =	sld [smem:$0x3FB4]  }
0x2c: {  	s7 =	sld [smem:$0x3FB5]  }
0x2d: {  	s3 =	simm.s32 $0x108;
	s8 =	sld [smem:$0x3FB6]  }
0x2e: {  	s3 =	simm.s32 @!p0 $0x1082;
	s9 =	sld [smem:$0x3FB7]  }
0x2f: {  	lr =	sadd.s32 s0, s3;
	s0 =	sld [smem:$0x3FAE]  }
0x30: {  	s3 =	sld [smem:$0x3FB1]  }
0x31: {  	[smem:$0x3FBA] =	sst s10  }
0x32: {  	s10 =	sld [smem:$0x3FB8];
	_ =	sdelay $0x3  }
0x33: {  	p0 =	seq.s32 s10, $0x1;
	s10 =	sld [smem:$0x3FBA];
	_ =	sdelay $0x3  }
0x34: {  	[smem:$0x3FBA] =	sst s10  }
0x35: {  	s10 =	sld [smem:$0x3FB9];
	_ =	sdelay $0x3  }
0x36: {  	p1 =	seq.s32 s10, $0x1;
	s10 =	sld [smem:$0x3FBA];
	_ =	sdelay $0x3  }
0x37: {  	[smem:$0x3FBA] =	sst s10  }
0x38: {  	s10 =	sld [smem:$0x3FBB]  }
0x39: {  	_ = 	snop;
	(pc) =	sbr.ind lr, $3  }
0x3a: {  	_ = 	snop  }
0x3b: {  	_ = 	snop  }
0x3c: {  	p2 =	seq.s32 s10, $0x1;
	s10 =	sld [smem:$0x3FBA]  }
0x3d: {  	_ =	shalt  }
0x3e: {  	_ =	shalt  }
0x3f: {  	_ =	shalt  }
0x40: {  	_ =	shalt  }
0x41: {  	_ =	shalt  }
0x42: {  	_ =	shalt  }
0x43: {  	_ =	shalt  }
0x44: {  	_ =	shalt  }
0x45: {  	_ =	shalt  }
0x46: {  	_ =	shalt  }
0x47: {  	_ =	shalt  }
0x48: {  	_ =	shalt  }
0x49: {  	_ =	shalt  }
0x4a: {  	_ =	shalt  }
0x4b: {  	_ =	shalt  }
0x4c: {  	_ =	shalt  }
0x4d: {  	_ =	shalt  }
0x4e: {  	_ =	shalt  }
0x4f: {  	_ =	shalt  }
0x50: {  	_ =	shalt  }
0x51: {  	_ =	shalt  }
0x52: {  	_ =	shalt  }
0x53: {  	_ =	shalt  }
0x54: {  	_ =	shalt  }
0x55: {  	_ =	shalt  }
0x56: {  	_ =	shalt  }
0x57: {  	_ =	shalt  }
0x58: {  	_ =	shalt  }
0x59: {  	_ =	shalt  }
0x5a: {  	_ =	shalt  }
0x5b: {  	_ =	shalt  }
0x5c: {  	_ =	shalt  }
0x5d: {  	_ =	shalt  }
0x5e: {  	_ =	shalt  }
0x5f: {  	_ =	shalt  }
0x60: {  	_ =	shalt  }
0x61: {  	_ =	shalt  }
0x62: {  	_ =	shalt  }
0x63: {  	_ =	shalt  }
0x64: {  	_ =	shalt  }
0x65: {  	_ =	shalt  }
0x66: {  	_ =	shalt  }
0x67: {  	_ =	shalt  }
0x68: {  	_ =	shalt  }
0x69: {  	_ =	shalt  }
0x6a: {  	_ =	shalt  }
0x6b: {  	_ =	shalt  }
0x6c: {  	_ =	shalt  }
0x6d: {  	_ =	shalt  }
0x6e: {  	_ =	shalt  }
0x6f: {  	_ =	shalt  }
0x70: {  	_ =	shalt  }
0x71: {  	_ =	shalt  }
0x72: {  	_ =	shalt  }
0x73: {  	_ =	shalt  }
0x74: {  	_ =	shalt  }
0x75: {  	_ =	shalt  }
0x76: {  	_ =	shalt  }
0x77: {  	_ =	shalt  }
0x78: {  	_ =	shalt  }
0x79: {  	_ =	shalt  }
0x7a: {  	_ =	shalt  }
0x7b: {  	_ =	shalt  }
0x7c: {  	_ =	shalt  }
0x7d: {  	_ =	shalt  }
0x7e: {  	_ =	shalt  }
0x7f: {  	_ =	shalt  }
0x80: {  	_ =	shalt  }
0x81: {  	_ =	shalt  }
0x82: {  	_ =	shalt  }
0x83: {  	_ =	shalt  }
0x84: {  	_ =	shalt  }
0x85: {  	_ =	shalt  }
0x86: {  	_ =	shalt  }
0x87: {  	_ =	shalt  }
.Lfunc_end0:
.L_simem_size_0:
called_computation_lowered:
.L_overlay_start_0:
0x88: {  	s2 =	sld [smem:$0x3FD9]  }
0x89: {  	s3 =	sld [smem:$0x3FFE];
	_ =	sdelay $0x1  }
0x8a: {  	s1 =	srdreg.scid  }
0x8b: {  	s0 =	sand.u32 $0x1, s1  }
0x8c: {  	s18 =	sshll.u32 s0, $0xA;
	s2 =	sadd.s32 s3, s2  }
0x8d: {  	s2 =	sadd.s32 s2, s18  }
0x8e: {  	[smem:$0x3FC6] =	sst s2  }
0x8f: {  	_ = 	snop  }
0x90: {  	s2 =	sld [smem:$0x3FC9]  }
0x91: {  	s19 =	sld [smem:$0x3FC8]  }
0x92: {  	s4 =	sld [smem:$0x3FD0];
	(tm) =	ssettm $0x1  }
0x93: {  	s5 =	sld [smem:$0x3FFB];
	_ =	sdelay $0x3  }
0x94: {  	_ =	strace s5  }
0x95: {  	s5 =	sld [smem:$0x3FFC];
	_ =	sdelay $0x3  }
0x96: {  	_ =	strace s5  }
0x97: {  	s5 =	sld [smem:$0x3FFD];
	_ =	sdelay $0x3  }
0x98: {  	_ =	strace s5  }
0x99: {  	_ =	strace $0x8FFFFFFF  }
0x9a: {  	s20 =	sld [smem:$0x3FDB];
	_ =	sdelay $0x1  }
0x9b: {  	s6 =	simm.s32 $_scs_section_size  }
0x9c: {  	s7 =	simm.s32 $_size__tile_overlayer_lowered;
	s8 =	simm.s32 $_tile_overlayer_lowered  }
0x9d: {  	s23 =	simm.s32 $0x1BFF;
	s22 =	sshll.u32 s8, $0x1;
	s5 =	sadd.s32 s6, s20  }
0x9e: {  	s9 =	simm.s32 $0x0;
	s21 =	sshll.u32 s7, $0x1;
	s7 =	sadd.s32 s22, s5  }
0x9f: {  	[timem:s9], [sflag:s23] =	dma.local [hbm:s7], s21  }
0xa0: {  	_ =	swait.ge [sflag:s23], s21  }
0xa1: {  	s6 =	ssub.s32 $0x0, s21;
	[sflag:s23] =	ssyncset.done $0x0  }
0xa2: {  	[sflag:s23] =	ssyncadd.s32 s6;
	_ =	sdelay $0x1  }
0xa3: {  	s24 =	simm.s32 $0x1B8B  }
0xa4: {  	_ =	swait.ge [sflag:s24], $0x1  }
0xa5: {  	[sflag:s24] =	ssyncset.done $0x0  }
0xa6: {  	s25 =	simm.s32 $0x1B8E;
	[sflag:s24] =	ssyncadd.s32 $0xFFFFFFFF  }
0xa7: {  	s26 =	simm.s32 $execute0_lowered;
	[smem:$0x3FD2] =	sst s25  }
0xa8: {  	s6 =	sshll.u32 s26, $0x1;
	_ =	strace $0x80000046;
	[dreg:$0x1] =	wrdreg $0xFFFFFFFF  }
0xa9: {  	s28 =	simm.s32 $_size_execute0_lowered;
	s5 =	sadd.s32 s5, s6;
	[dreg:$0x0] =	wrdreg $0x0  }
0xaa: {  	s6 =	sshll.u32 s28, $0x1;
	[dreg:$0x2] =	wrdreg s5  }
0xab: {  	[dreg:$0x3] =	wrdreg s6  }
0xac: {  	[dreg:$0x4] =	wrdreg $0xC0  }
0xad: {  	_ =	task [dreg:s9], $0x5FFFF  }
0xae: {  	[dreg:$0x1] =	wrdreg $0xFFFFFFFF  }
0xaf: {  	[dreg:$0x0] =	wrdreg $0x60  }
0xb0: {  	[dreg:$0x2] =	wrdreg s2  }
0xb1: {  	[dreg:$0x3] =	wrdreg s19  }
0xb2: {  	[dreg:$0x4] =	wrdreg s4  }
0xb3: {  	[dreg:$0x5] =	wrdreg $0x9  }
0xb4: {  	_ =	task.clear_ibuf [dreg:s9], $0x6FFFF;
	_ =	strace $0x90000046  }
0xb5: {  	s29 =	simm.s32 $0x9;
	_ =	strace $0x80000048  }
0xb6: {  	_ =	swait.ge [sflag:s29], $0x1  }
0xb7: {  	[sflag:s29] =	ssyncadd.s32 $0xFFFFFFFF  }
0xb8: {  	_ =	strace $0x90000048  }
0xb9: {  	_ =	sfence  }
0xba: {  	s30 =	sld [smem:$0x0];
	_ =	sdelay $0x2  }
0xbb: {  	s31 =	sshll.u32 s1, $0xD;
	s1 =	sshrl.u32 s1, $0x2  }
0xbc: {  	s3 =	sand.u32 $0x4000, s31;
	s1 =	sadd.s32 s1, s30  }
0xbd: {  	s0 =	sor.u32 s3, s0;
	s1 =	sshll.u32 s1, $0x11  }
0xbe: {  	s0 =	sor.u32 s1, s0  }
0xbf: {  	s0 =	sadd.s32 $0x8F2B, s0  }
0xc0: {  	[sflag:s0] =	ssyncadd.remote.s32 $0x1  }
0xc1: {  	_ =	sfence.sel $0xFFFF  }
0xc2: {  	[dreg:$0x0] =	wrdreg $0xFFFFFFFF;
	(pc) =	sbr.abs _section_cstart, $3  }
0xc3: {  	[dreg:$0x1] =	wrdreg $0xFFFFFFFF  }
0xc4: {  	_ =	task.clear_ibuf [dreg:s9], $0x2FFFF;
	_ =	strace $0x9FFFFFFF  }
0xc5: {  	(tm) =	ssettm $0x7FFFFFFF  }
tec
execute0_lowered:
.L_overlay_start_1:
0x0: {  	(tag) =	ssettag $0x1  }
0x1: {  	s2 =	srdreg.scid  }
0x2: {  	s5 =	rddreg [dreg:$0x0];
	s4 =	stileid.u32;
	s2 =	sand.u32 $0x1, s2  }
0x3: {  	s4 =	sshll.u32 s4, $0xF;
	s3 =	ssub.s32 $0x2, s2;
	s2 =	sshll.u32 s2, $0xE  }
0x4: {  	s0 =	rddreg [dreg:$0x1];
	s4 =	sor.u32 s2, s4  }
0x5: {  	s7 =	rddreg [dreg:$0x2];
	s1 =	simm.s32 $0x0;
	s2 =	sor.u32 $0x80000, s4  }
0x6: {  	[smem:$0x7FF] =	sst s1;
	s17 =	sor.u32 $0x100000, s4;
	s18 =	sadd.s32 s5, s2  }
0x7: {  	s6 =	sshrl.u32 s3, $0x1;
	s19 =	sadd.s32 s5, s17;
	[dreg:$0x4] =	wrdreg s18  }
0x8: {  	s20 =	sor.u32 $0x180000, s4;
	s2 =	sadd.s32 s7, s2;
	[dreg:$0x5] =	wrdreg s19  }
0x9: {  	s8 =	ssub.s32 s3, s6;
	s21 =	sadd.s32 s5, s20;
	[dreg:$0x6] =	wrdreg s2  }
0xa: {  	s22 =	sor.u32 $0x1000, s4;
	s3 =	sadd.s32 s7, s17;
	[dreg:$0x7] =	wrdreg s21  }
0xb: {  	s26 =	sor.u32 $0x81000, s4;
	s23 =	sadd.s32 s5, s22;
	[dreg:$0x8] =	wrdreg s3  }
0xc: {  	s28 =	sor.u32 $0x101000, s4;
	s24 =	sadd.s32 s0, s22;
	[dreg:$0x9] =	wrdreg s23  }
0xd: {  	s10 =	sor.u32 $0x181000, s4;
	s25 =	sadd.s32 s7, s20;
	[dreg:$0xa] =	wrdreg s24  }
0xe: {  	s11 =	sor.u32 $0x2000, s4;
	s9 =	sadd.s32 s5, s26;
	[dreg:$0xb] =	wrdreg s25  }
0xf: {  	s15 =	sor.u32 $0x82000, s4;
	s29 =	sadd.s32 s5, s28;
	[dreg:$0xc] =	wrdreg s9  }
0x10: {  	s12 =	sadd.s32 s5, s10;
	s6 =	sadd.s32 s7, s28;
	[dreg:$0xe] =	wrdreg s29  }
0x11: {  	s13 =	sadd.s32 s5, s11;
	s14 =	sadd.s32 s0, s11;
	[dreg:$0x10] =	wrdreg s12  }
0x12: {  	s16 =	sadd.s32 s5, s15;
	s17 =	sor.u32 $0x102000, s4;
	[dreg:$0x11] =	wrdreg s6  }
0x13: {  	s20 =	sadd.s32 s0, s4;
	s28 =	sor.u32 $0x103000, s4;
	[dreg:$0x12] =	wrdreg s13  }
0x14: {  	s8 =	smax.u32 s8, $0x1;
	s2 =	sadd.s32 s7, s22;
	[dreg:$0x13] =	wrdreg s14  }
0x15: {  	s9 =	sadd.s32 s7, s26;
	s3 =	sadd.s32 s7, s11;
	[dreg:$0x16] =	wrdreg s16  }
0x16: {  	s18 =	sadd.s32 s5, s17;
	s19 =	sadd.s32 s7, s17;
	[dreg:$0x1a] =	wrdreg s20  }
0x17: {  	s21 =	sor.u32 $0x182000, s4;
	s22 =	sor.u32 $0x3000, s4;
	s26 =	sor.u32 $0x83000, s4  }
0x18: {  	s29 =	sor.u32 $0x183000, s4;
	s6 =	sadd.s32 s7, s28;
	[dreg:$0xd] =	wrdreg s2  }
0x19: {  	s11 =	simm.s32 $0x1;
	s12 =	simm.s32 $0x8000;
	[dreg:$0xf] =	wrdreg s9  }
0x1a: {  	s13 =	simm.s32 $0x2;
	s14 =	simm.s32 $0x3;
	[dreg:$0x15] =	wrdreg s3  }
0x1b: {  	s16 =	simm.s32 $0x0;
	s2 =	sadd.s32 s7, s10;
	[dreg:$0x18] =	wrdreg s18  }
0x1c: {  	[dreg:$0x19] =	wrdreg s19;
	s0 =	sadd.s32 s0, s22;
	s23 =	sadd.s32 s5, s21  }
0x1d: {  	s24 =	sadd.s32 s7, s21;
	s25 =	sadd.s32 s5, s22;
	[dreg:$0x14] =	wrdreg s2  }
0x1e: {  	s30 =	sadd.s32 s7, s22;
	s31 =	sadd.s32 s5, s26;
	[dreg:$0x1b] =	wrdreg s0  }
0x1f: {  	s3 =	sadd.s32 s7, s4;
	s9 =	simm.s32 $0x10000;
	[dreg:$0x1c] =	wrdreg s23  }
0x20: {  	s10 =	simm.s32 $0x5;
	s2 =	sadd.s32 s7, s15;
	[dreg:$0x1d] =	wrdreg s24  }
0x21: {  	[dreg:$0x1e] =	wrdreg s25;
	s0 =	sadd.s32 s7, s26;
	s7 =	sadd.s32 s7, s29  }
0x22: {  	s15 =	simm.s32 $0x4;
	[dreg:$0x17] =	wrdreg s2;
	s2 =	sadd.s32 s5, s4  }
0x23: {  	s4 =	sadd.s32 s5, s28;
	s5 =	sadd.s32 s5, s29;
	_ =	strace $0x80000047  }
.LBB2_1:
0x24: {  	s17 =	rddreg [dreg:$0x1a]  }
0x25: {  	[tilespmem:s9], [sflag:$0x5] =	stream.linear.gather [hbm4b:s17+s1], $0x8000, $0x38;
	[tilespmem:$0x18000] =	vst v63  }
0x26: {  	_ = 	snop  }
0x27: {  	[tilespmem:s1], [sflag:$0x1] =	stream.linear.gather [hbm4b:s2+s1], $0x8000, $0x38;
	[tilespmem:$0x18000] =	vst v63  }
0x28: {  	_ =	swait.ge [sflag:s10], $0x8000  }
0x29: {  	[sflag:s10] =	ssyncset.done $0x0  }
0x2a: {  	s17 =	simm.s32 $0x0;
	[sflag:s10] =	ssyncadd.s32 $0xFFFF8000  }
0x2b: {  	s19 =	sand.u32 $0x1C00, s1;
	s18 =	sand.u32 $0x6000, s17;
	_ =	swait.ge [sflag:s11], $0x8000  }
0x2c: {  	s28 =	sand.u32 $0x380, s1;
	s18 =	sor.u32 s18, s19;
	[sflag:s11] =	ssyncset.done $0x0  }
0x2d: {  	s18 =	sor.u32 s28, s18;
	s26 =	rddreg [dreg:$0x4];
	[sflag:s11] =	ssyncadd.s32 $0xFFFF8000  }
0x2e: {  	[tilespmem:s12], [sflag:$0x2] =	stream.linear.gather [hbm4b:s26+s1], $0x8000, $0x38;
	[tilespmem:$0x18000] =	vst v63  }
0x2f: {  	v0 =	vld [tilespmem:s18+$0x10070]  }
0x30: {  	v4 =	vld [tilespmem:s18+$0x10000]  }
0x31: {  	v5 =	vld [tilespmem:s18+$0x10010]  }
0x32: {  	v6 =	vld [tilespmem:s18+$0x10020]  }
0x33: {  	v2 =	vld [tilespmem:s18+$0x10030]  }
0x34: {  	v3 =	vld [tilespmem:s18+$0x10040]  }
0x35: {  	s19 =	sor.u32 $0x70, s18;
	v1 =	vld [tilespmem:s18+$0x10050]  }
0x36: {  	[tilespmem:s19+$0x0] =	vst.add.f32.msk $0xffff, v0  }
0x37: {  	v0 =	vld [tilespmem:s18+$0x10060]  }
0x38: {  	s29 =	sor.u32 $0x10, s18;
	s24 =	sor.u32 $0x20, s18;
	[tilespmem:s18+$0x0] =	vst.add.f32.msk $0xffff, v4  }
0x39: {  	s23 =	sor.u32 $0x30, s18;
	s22 =	sor.u32 $0x40, s18;
	s21 =	sor.u32 $0x50, s18;
	[tilespmem:s29+$0x0] =	vst.add.f32.msk $0xffff, v5  }
0x3a: {  	s20 =	sor.u32 $0x60, s18;
	[tilespmem:s24+$0x0] =	vst.add.f32.msk $0xffff, v6;
	s18 =	simm.s32 $0x0;
	s19 =	simm.s32 $0x0  }
.LBB2_2:
0x3b: {  	s17 =	sadd.s32 $0x80, s17;
	[tilespmem:s23+$0x0] =	vst.add.f32.msk $0xffff, v2;
	s18 =	sadd.s32 $0x400, s18  }
0x3c: {  	s19 =	sadd.s32 $0x10, s19;
	s23 =	sand.u32 $0x6000, s17;
	s24 =	sand.u32 $0x1C00, s18;
	[tilespmem:s22+$0x0] =	vst.add.f32.msk $0xffff, v3  }
0x3d: {  	p0 =	slt.u32 s17, $0x7F80;
	s22 =	sor.u32 s23, s24;
	s23 =	sand.u32 $0x380, s19;
	[tilespmem:s21+$0x0] =	vst.add.f32.msk $0xffff, v1  }
0x3e: {  	s24 =	sor.u32 s23, s22;
	[tilespmem:s20+$0x0] =	vst.add.f32.msk $0xffff, v0  }
0x3f: {  	s25 =	sor.u32 $0x10, s24;
	s26 =	sor.u32 $0x20, s24;
	s23 =	sor.u32 $0x30, s24;
	v0 =	vld [tilespmem:s24+$0x10070]  }
0x40: {  	s22 =	sor.u32 $0x40, s24;
	s21 =	sor.u32 $0x50, s24;
	s20 =	sor.u32 $0x60, s24;
	v4 =	vld [tilespmem:s24+$0x10000]  }
0x41: {  	v5 =	vld [tilespmem:s24+$0x10010]  }
0x42: {  	v6 =	vld [tilespmem:s24+$0x10020]  }
0x43: {  	s28 =	sor.u32 $0x70, s24;
	v2 =	vld [tilespmem:s24+$0x10030]  }
0x44: {  	[tilespmem:s28+$0x0] =	vst.add.f32.msk $0xffff, v0  }
0x45: {  	v3 =	vld [tilespmem:s24+$0x10040]  }
.Ltmp0:
0x46: {  	v1 =	vld [tilespmem:s24+$0x10050];
	(pc) =	sbr.rel @p0 .LBB2_2-.Ltmp0, $4  }
0x47: {  	v0 =	vld [tilespmem:s24+$0x10060]  }
0x48: {  	[tilespmem:s24+$0x0] =	vst.add.f32.msk $0xffff, v4  }
0x49: {  	[tilespmem:s25+$0x0] =	vst.add.f32.msk $0xffff, v5  }
0x4a: {  	[tilespmem:s26+$0x0] =	vst.add.f32.msk $0xffff, v6  }
0x4b: {  	[tilespmem:s23+$0x0] =	vst.add.f32.msk $0xffff, v2  }
0x4c: {  	[tilespmem:s22+$0x0] =	vst.add.f32.msk $0xffff, v3  }
0x4d: {  	[tilespmem:s21+$0x0] =	vst.add.f32.msk $0xffff, v1  }
0x4e: {  	s17 =	simm.s32 $0x0;
	[tilespmem:s20+$0x0] =	vst.add.f32.msk $0xffff, v0  }
0x4f: {  	[hbm4b:s3+s17] =	stream.linear.scatter [tilespmem:s17], [sflag:$0x3], $0x8000, $0x38;
	[tilespmem:$0x18000] =	vst v63  }
0x50: {  	_ =	swait.ge [sflag:s13], $0x8000  }
0x51: {  	[sflag:s13] =	ssyncset.done $0x0  }
0x52: {  	[sflag:s13] =	ssyncadd.s32 $0xFFFF8000  }
0x53: {  	_ =	swait.ge [sflag:s14], $0x8000  }
0x54: {  	[sflag:s14] =	ssyncset.done $0x0  }
0x55: {  	s18 =	rddreg [dreg:$0x5];
	[sflag:s14] =	ssyncadd.s32 $0xFFFF8000  }
0x56: {  	[tilespmem:s17], [sflag:$0x1] =	stream.linear.gather [hbm4b:s18+s17], $0x8000, $0x38;
	[tilespmem:$0x18000] =	vst v63  }
0x57: {  	s18 =	simm.s32 $0x0  }
0x58: {  	s25 =	sand.u32 $0x1C00, s17;
	s19 =	sand.u32 $0x6000, s18  }
0x59: {  	s26 =	sand.u32 $0x380, s17;
	s19 =	sor.u32 s19, s25  }
0x5a: {  	s19 =	sor.u32 s26, s19  }
0x5b: {  	v0 =	vld [tilespmem:s19+$0x10070]  }
0x5c: {  	v4 =	vld [tilespmem:s19+$0x10000]  }
0x5d: {  	v5 =	vld [tilespmem:s19+$0x10010]  }
0x5e: {  	v6 =	vld [tilespmem:s19+$0x10020]  }
0x5f: {  	v2 =	vld [tilespmem:s19+$0x10030]  }
0x60: {  	v3 =	vld [tilespmem:s19+$0x10040]  }
0x61: {  	s20 =	sor.u32 $0x8070, s19;
	v1 =	vld [tilespmem:s19+$0x10060]  }
0x62: {  	[tilespmem:s20+$0x0] =	vst.add.f32.msk $0xffff, v0  }
0x63: {  	s28 =	sor.u32 $0x8000, s19;
	v0 =	vld [tilespmem:s19+$0x10050]  }
0x64: {  	s29 =	sor.u32 $0x8010, s19;
	[tilespmem:s28+$0x0] =	vst.add.f32.msk $0xffff, v4  }
0x65: {  	s24 =	sor.u32 $0x8020, s19;
	s23 =	sor.u32 $0x8030, s19;
	s22 =	sor.u32 $0x8040, s19;
	[tilespmem:s29+$0x0] =	vst.add.f32.msk $0xffff, v5  }
0x66: {  	s21 =	sor.u32 $0x8060, s19;
	s20 =	sor.u32 $0x8050, s19;
	[tilespmem:s24+$0x0] =	vst.add.f32.msk $0xffff, v6;
	s19 =	simm.s32 $0x0  }
.LBB2_4:
0x67: {  	s18 =	sadd.s32 $0x80, s18;
	[tilespmem:s23+$0x0] =	vst.add.f32.msk $0xffff, v2;
	s17 =	sadd.s32 $0x400, s17  }
0x68: {  	s19 =	sadd.s32 $0x10, s19;
	s23 =	sand.u32 $0x6000, s18;
	s24 =	sand.u32 $0x1C00, s17;
	[tilespmem:s22+$0x0] =	vst.add.f32.msk $0xffff, v3  }
0x69: {  	p0 =	slt.u32 s18, $0x7F80;
	s22 =	sor.u32 s23, s24;
	s23 =	sand.u32 $0x380, s19;
	[tilespmem:s20+$0x0] =	vst.add.f32.msk $0xffff, v0  }
0x6a: {  	s24 =	sor.u32 s23, s22;
	[tilespmem:s21+$0x0] =	vst.add.f32.msk $0xffff, v1  }
0x6b: {  	s25 =	sor.u32 $0x8000, s24;
	s26 =	sor.u32 $0x8010, s24;
	s28 =	sor.u32 $0x8020, s24;
	v0 =	vld [tilespmem:s24+$0x10070]  }
0x6c: {  	s23 =	sor.u32 $0x8030, s24;
	s22 =	sor.u32 $0x8040, s24;
	s20 =	sor.u32 $0x8050, s24;
	v4 =	vld [tilespmem:s24+$0x10000]  }
0x6d: {  	s21 =	sor.u32 $0x8060, s24;
	v5 =	vld [tilespmem:s24+$0x10010]  }
0x6e: {  	v6 =	vld [tilespmem:s24+$0x10020]  }
0x6f: {  	s29 =	sor.u32 $0x8070, s24;
	v2 =	vld [tilespmem:s24+$0x10030]  }
0x70: {  	[tilespmem:s29+$0x0] =	vst.add.f32.msk $0xffff, v0  }
0x71: {  	v3 =	vld [tilespmem:s24+$0x10040]  }
.Ltmp1:
0x72: {  	v0 =	vld [tilespmem:s24+$0x10050];
	(pc) =	sbr.rel @p0 .LBB2_4-.Ltmp1, $4  }
0x73: {  	v1 =	vld [tilespmem:s24+$0x10060]  }
0x74: {  	[tilespmem:s25+$0x0] =	vst.add.f32.msk $0xffff, v4  }
0x75: {  	[tilespmem:s26+$0x0] =	vst.add.f32.msk $0xffff, v5  }
0x76: {  	[tilespmem:s28+$0x0] =	vst.add.f32.msk $0xffff, v6  }
0x77: {  	[tilespmem:s23+$0x0] =	vst.add.f32.msk $0xffff, v2  }
0x78: {  	[tilespmem:s22+$0x0] =	vst.add.f32.msk $0xffff, v3  }
0x79: {  	[tilespmem:s20+$0x0] =	vst.add.f32.msk $0xffff, v0  }
0x7a: {  	[tilespmem:s21+$0x0] =	vst.add.f32.msk $0xffff, v1  }
0x7b: {  	s17 =	simm.s32 $0x0;
	s18 =	rddreg [dreg:$0x6]  }
0x7c: {  	[hbm4b:s18+s17] =	stream.linear.scatter [tilespmem:s12], [sflag:$0x4], $0x8000, $0x38;
	[tilespmem:$0x18000] =	vst v63  }
0x7d: {  	_ =	swait.ge [sflag:s11], $0x8000  }
0x7e: {  	[sflag:s11] =	ssyncset.done $0x0  }
0x7f: {  	s18 =	simm.s32 $0x0;
	[sflag:s11] =	ssyncadd.s32 $0xFFFF8000  }
0x80: {  	s26 =	sand.u32 $0x1C00, s17;
	s19 =	sand.u32 $0x6000, s18;
	_ =	swait.ge [sflag:s15], $0x8000  }
0x81: {  	s28 =	sand.u32 $0x380, s17;
	s19 =	sor.u32 s19, s26;
	[sflag:s15] =	ssyncset.done $0x0  }
0x82: {  	s19 =	sor.u32 s28, s19;
	s25 =	rddreg [dreg:$0x7];
	[sflag:s15] =	ssyncadd.s32 $0xFFFF8000  }
0x83: {  	[tilespmem:s12], [sflag:$0x2] =	stream.linear.gather [hbm4b:s25+s17], $0x8000, $0x38;
	[tilespmem:$0x18000] =	vst v63  }
0x84: {  	v0 =	vld [tilespmem:s19+$0x10070]  }
0x85: {  	v4 =	vld [tilespmem:s19+$0x10000]  }
0x86: {  	v5 =	vld [tilespmem:s19+$0x10010]  }
0x87: {  	v6 =	vld [tilespmem:s19+$0x10020]  }
0x88: {  	v2 =	vld [tilespmem:s19+$0x10030]  }
0x89: {  	v3 =	vld [tilespmem:s19+$0x10040]  }
0x8a: {  	s20 =	sor.u32 $0x70, s19;
	v1 =	vld [tilespmem:s19+$0x10050]  }
0x8b: {  	[tilespmem:s20+$0x0] =	vst.add.f32.msk $0xffff, v0  }
0x8c: {  	v0 =	vld [tilespmem:s19+$0x10060]  }
0x8d: {  	s29 =	sor.u32 $0x10, s19;
	[tilespmem:s19+$0x0] =	vst.add.f32.msk $0xffff, v4  }
0x8e: {  	s24 =	sor.u32 $0x20, s19;
	s23 =	sor.u32 $0x30, s19;
	s22 =	sor.u32 $0x40, s19;
	[tilespmem:s29+$0x0] =	vst.add.f32.msk $0xffff, v5  }
0x8f: {  	s21 =	sor.u32 $0x50, s19;
	s20 =	sor.u32 $0x60, s19;
	[tilespmem:s24+$0x0] =	vst.add.f32.msk $0xffff, v6;
	s19 =	simm.s32 $0x0  }
.LBB2_6:
0x90: {  	s18 =	sadd.s32 $0x80, s18;
	[tilespmem:s23+$0x0] =	vst.add.f32.msk $0xffff, v2;
	s17 =	sadd.s32 $0x400, s17  }
0x91: {  	s19 =	sadd.s32 $0x10, s19;
	s23 =	sand.u32 $0x6000, s18;
	s24 =	sand.u32 $0x1C00, s17;
	[tilespmem:s22+$0x0] =	vst.add.f32.msk $0xffff, v3  }
0x92: {  	p0 =	slt.u32 s18, $0x7F80;
	s22 =	sor.u32 s23, s24;
	s23 =	sand.u32 $0x380, s19;
	[tilespmem:s21+$0x0] =	vst.add.f32.msk $0xffff, v1  }
0x93: {  	s24 =	sor.u32 s23, s22;
	[tilespmem:s20+$0x0] =	vst.add.f32.msk $0xffff, v0  }
0x94: {  	s25 =	sor.u32 $0x10, s24;
	s26 =	sor.u32 $0x20, s24;
	s23 =	sor.u32 $0x30, s24;
	v0 =	vld [tilespmem:s24+$0x10070]  }
0x95: {  	s22 =	sor.u32 $0x40, s24;
	s21 =	sor.u32 $0x50, s24;
	s20 =	sor.u32 $0x60, s24;
	v4 =	vld [tilespmem:s24+$0x10000]  }
0x96: {  	v5 =	vld [tilespmem:s24+$0x10010]  }
0x97: {  	v6 =	vld [tilespmem:s24+$0x10020]  }
0x98: {  	s28 =	sor.u32 $0x70, s24;
	v2 =	vld [tilespmem:s24+$0x10030]  }
0x99: {  	[tilespmem:s28+$0x0] =	vst.add.f32.msk $0xffff, v0  }
0x9a: {  	v3 =	vld [tilespmem:s24+$0x10040]  }
.Ltmp2:
0x9b: {  	v1 =	vld [tilespmem:s24+$0x10050];
	(pc) =	sbr.rel @p0 .LBB2_6-.Ltmp2, $4  }
0x9c: {  	v0 =	vld [tilespmem:s24+$0x10060]  }
0x9d: {  	[tilespmem:s24+$0x0] =	vst.add.f32.msk $0xffff, v4  }
0x9e: {  	[tilespmem:s25+$0x0] =	vst.add.f32.msk $0xffff, v5  }
0x9f: {  	[tilespmem:s26+$0x0] =	vst.add.f32.msk $0xffff, v6  }
0xa0: {  	[tilespmem:s23+$0x0] =	vst.add.f32.msk $0xffff, v2  }
0xa1: {  	[tilespmem:s22+$0x0] =	vst.add.f32.msk $0xffff, v3  }
0xa2: {  	[tilespmem:s21+$0x0] =	vst.add.f32.msk $0xffff, v1  }
0xa3: {  	[tilespmem:s20+$0x0] =	vst.add.f32.msk $0xffff, v0  }
0xa4: {  	s17 =	simm.s32 $0x0;
	s18 =	rddreg [dreg:$0x8]  }
0xa5: {  	[hbm4b:s18+s17] =	stream.linear.scatter [tilespmem:s17], [sflag:$0x3], $0x8000, $0x38;
	[tilespmem:$0x18000] =	vst v63  }
0xa6: {  	_ =	swait.ge [sflag:s13], $0x8000  }
0xa7: {  	[sflag:s13] =	ssyncset.done $0x0  }
0xa8: {  	s18 =	simm.s32 $0x0;
	[sflag:s13] =	ssyncadd.s32 $0xFFFF8000  }
0xa9: {  	s25 =	sand.u32 $0x1C00, s17;
	s19 =	sand.u32 $0x6000, s18;
	_ =	swait.ge [sflag:s14], $0x8000  }
0xaa: {  	s26 =	sand.u32 $0x380, s17;
	s19 =	sor.u32 s19, s25;
	[sflag:s14] =	ssyncset.done $0x0  }
0xab: {  	s19 =	sor.u32 s26, s19;
	s24 =	rddreg [dreg:$0x9];
	[sflag:s14] =	ssyncadd.s32 $0xFFFF8000  }
0xac: {  	[tilespmem:s17], [sflag:$0x1] =	stream.linear.gather [hbm4b:s24+s17], $0x8000, $0x38;
	[tilespmem:$0x18000] =	vst v63  }
0xad: {  	v0 =	vld [tilespmem:s19+$0x10070]  }
0xae: {  	v4 =	vld [tilespmem:s19+$0x10000]  }
0xaf: {  	v5 =	vld [tilespmem:s19+$0x10010]  }
0xb0: {  	v6 =	vld [tilespmem:s19+$0x10020]  }
0xb1: {  	v2 =	vld [tilespmem:s19+$0x10030]  }
0xb2: {  	v3 =	vld [tilespmem:s19+$0x10040]  }
0xb3: {  	s20 =	sor.u32 $0x8070, s19;
	v1 =	vld [tilespmem:s19+$0x10060]  }
0xb4: {  	[tilespmem:s20+$0x0] =	vst.add.f32.msk $0xffff, v0  }
0xb5: {  	s28 =	sor.u32 $0x8000, s19;
	v0 =	vld [tilespmem:s19+$0x10050]  }
0xb6: {  	s29 =	sor.u32 $0x8010, s19;
	[tilespmem:s28+$0x0] =	vst.add.f32.msk $0xffff, v4  }
0xb7: {  	s23 =	sor.u32 $0x8030, s19;
	s22 =	sor.u32 $0x8040, s19;
	s24 =	sor.u32 $0x8020, s19;
	[tilespmem:s29+$0x0] =	vst.add.f32.msk $0xffff, v5  }
0xb8: {  	s21 =	sor.u32 $0x8060, s19;
	s20 =	sor.u32 $0x8050, s19;
	[tilespmem:s24+$0x0] =	vst.add.f32.msk $0xffff, v6;
	s19 =	simm.s32 $0x0  }
.LBB2_8:
0xb9: {  	s18 =	sadd.s32 $0x80, s18;
	[tilespmem:s23+$0x0] =	vst.add.f32.msk $0xffff, v2;
	s17 =	sadd.s32 $0x400, s17  }
0xba: {  	s19 =	sadd.s32 $0x10, s19;
	s23 =	sand.u32 $0x6000, s18;
	s24 =	sand.u32 $0x1C00, s17;
	[tilespmem:s22+$0x0] =	vst.add.f32.msk $0xffff, v3  }
0xbb: {  	p0 =	slt.u32 s18, $0x7F80;
	s22 =	sor.u32 s23, s24;
	s23 =	sand.u32 $0x380, s19;
	[tilespmem:s20+$0x0] =	vst.add.f32.msk $0xffff, v0  }
0xbc: {  	s24 =	sor.u32 s23, s22;
	[tilespmem:s21+$0x0] =	vst.add.f32.msk $0xffff, v1  }
0xbd: {  	s25 =	sor.u32 $0x8000, s24;
	s26 =	sor.u32 $0x8010, s24;
	s28 =	sor.u32 $0x8020, s24;
	v0 =	vld [tilespmem:s24+$0x10070]  }
0xbe: {  	s23 =	sor.u32 $0x8030, s24;
	s22 =	sor.u32 $0x8040, s24;
	s20 =	sor.u32 $0x8050, s24;
	v4 =	vld [tilespmem:s24+$0x10000]  }
0xbf: {  	s21 =	sor.u32 $0x8060, s24;
	v5 =	vld [tilespmem:s24+$0x10010]  }
0xc0: {  	v6 =	vld [tilespmem:s24+$0x10020]  }
0xc1: {  	s29 =	sor.u32 $0x8070, s24;
	v2 =	vld [tilespmem:s24+$0x10030]  }
0xc2: {  	[tilespmem:s29+$0x0] =	vst.add.f32.msk $0xffff, v0  }
0xc3: {  	v3 =	vld [tilespmem:s24+$0x10040]  }
.Ltmp3:
0xc4: {  	v0 =	vld [tilespmem:s24+$0x10050];
	(pc) =	sbr.rel @p0 .LBB2_8-.Ltmp3, $4  }
0xc5: {  	v1 =	vld [tilespmem:s24+$0x10060]  }
0xc6: {  	[tilespmem:s25+$0x0] =	vst.add.f32.msk $0xffff, v4  }
0xc7: {  	[tilespmem:s26+$0x0] =	vst.add.f32.msk $0xffff, v5  }
0xc8: {  	[tilespmem:s28+$0x0] =	vst.add.f32.msk $0xffff, v6  }
0xc9: {  	[tilespmem:s23+$0x0] =	vst.add.f32.msk $0xffff, v2  }
0xca: {  	[tilespmem:s22+$0x0] =	vst.add.f32.msk $0xffff, v3  }
0xcb: {  	[tilespmem:s20+$0x0] =	vst.add.f32.msk $0xffff, v0  }
0xcc: {  	[tilespmem:s21+$0x0] =	vst.add.f32.msk $0xffff, v1  }
0xcd: {  	s17 =	simm.s32 $0x0;
	s18 =	rddreg [dreg:$0xa]  }
0xce: {  	[tilespmem:s9], [sflag:$0x5] =	stream.linear.gather [hbm4b:s18+s17], $0x8000, $0x38;
	[tilespmem:$0x18000] =	vst v63  }
0xcf: {  	s24 =	rddreg [dreg:$0xb]  }
0xd0: {  	[hbm4b:s24+s17] =	stream.linear.scatter [tilespmem:s12], [sflag:$0x4], $0x8000, $0x38;
	[tilespmem:$0x18000] =	vst v63  }
0xd1: {  	_ =	swait.ge [sflag:s10], $0x8000  }
0xd2: {  	[sflag:s10] =	ssyncset.done $0x0  }
0xd3: {  	[sflag:s10] =	ssyncadd.s32 $0xFFFF8000  }
0xd4: {  	_ =	swait.ge [sflag:s11], $0x8000  }
0xd5: {  	[sflag:s11] =	ssyncset.done $0x0  }
0xd6: {  	s18 =	simm.s32 $0x0;
	[sflag:s11] =	ssyncadd.s32 $0xFFFF8000  }
0xd7: {  	s26 =	sand.u32 $0x1C00, s17;
	s19 =	sand.u32 $0x6000, s18;
	_ =	swait.ge [sflag:s15], $0x8000  }
0xd8: {  	s28 =	sand.u32 $0x380, s17;
	s19 =	sor.u32 s19, s26;
	[sflag:s15] =	ssyncset.done $0x0  }
0xd9: {  	s19 =	sor.u32 s28, s19;
	s25 =	rddreg [dreg:$0xc];
	[sflag:s15] =	ssyncadd.s32 $0xFFFF8000  }
0xda: {  	[tilespmem:s12], [sflag:$0x2] =	stream.linear.gather [hbm4b:s25+s17], $0x8000, $0x38;
	[tilespmem:$0x18000] =	vst v63  }
0xdb: {  	v0 =	vld [tilespmem:s19+$0x10070]  }
0xdc: {  	v4 =	vld [tilespmem:s19+$0x10000]  }
0xdd: {  	v5 =	vld [tilespmem:s19+$0x10010]  }
0xde: {  	v6 =	vld [tilespmem:s19+$0x10020]  }
0xdf: {  	v2 =	vld [tilespmem:s19+$0x10030]  }
0xe0: {  	v3 =	vld [tilespmem:s19+$0x10040]  }
0xe1: {  	s20 =	sor.u32 $0x70, s19;
	v1 =	vld [tilespmem:s19+$0x10050]  }
0xe2: {  	[tilespmem:s20+$0x0] =	vst.add.f32.msk $0xffff, v0  }
0xe3: {  	v0 =	vld [tilespmem:s19+$0x10060]  }
0xe4: {  	s29 =	sor.u32 $0x10, s19;
	[tilespmem:s19+$0x0] =	vst.add.f32.msk $0xffff, v4  }
0xe5: {  	s24 =	sor.u32 $0x20, s19;
	s23 =	sor.u32 $0x30, s19;
	s22 =	sor.u32 $0x40, s19;
	[tilespmem:s29+$0x0] =	vst.add.f32.msk $0xffff, v5  }
0xe6: {  	s21 =	sor.u32 $0x50, s19;
	s20 =	sor.u32 $0x60, s19;
	[tilespmem:s24+$0x0] =	vst.add.f32.msk $0xffff, v6;
	s19 =	simm.s32 $0x0  }
.LBB2_10:
0xe7: {  	s18 =	sadd.s32 $0x80, s18;
	[tilespmem:s23+$0x0] =	vst.add.f32.msk $0xffff, v2;
	s17 =	sadd.s32 $0x400, s17  }
0xe8: {  	s19 =	sadd.s32 $0x10, s19;
	s23 =	sand.u32 $0x6000, s18;
	s24 =	sand.u32 $0x1C00, s17;
	[tilespmem:s22+$0x0] =	vst.add.f32.msk $0xffff, v3  }
0xe9: {  	p0 =	slt.u32 s18, $0x7F80;
	s22 =	sor.u32 s23, s24;
	s23 =	sand.u32 $0x380, s19;
	[tilespmem:s21+$0x0] =	vst.add.f32.msk $0xffff, v1  }
0xea: {  	s24 =	sor.u32 s23, s22;
	[tilespmem:s20+$0x0] =	vst.add.f32.msk $0xffff, v0  }
0xeb: {  	s25 =	sor.u32 $0x10, s24;
	s26 =	sor.u32 $0x20, s24;
	s23 =	sor.u32 $0x30, s24;
	v0 =	vld [tilespmem:s24+$0x10070]  }
0xec: {  	s22 =	sor.u32 $0x40, s24;
	s21 =	sor.u32 $0x50, s24;
	s20 =	sor.u32 $0x60, s24;
	v4 =	vld [tilespmem:s24+$0x10000]  }
0xed: {  	v5 =	vld [tilespmem:s24+$0x10010]  }
0xee: {  	v6 =	vld [tilespmem:s24+$0x10020]  }
0xef: {  	s28 =	sor.u32 $0x70, s24;
	v2 =	vld [tilespmem:s24+$0x10030]  }
0xf0: {  	[tilespmem:s28+$0x0] =	vst.add.f32.msk $0xffff, v0  }
0xf1: {  	v3 =	vld [tilespmem:s24+$0x10040]  }
.Ltmp4:
0xf2: {  	v1 =	vld [tilespmem:s24+$0x10050];
	(pc) =	sbr.rel @p0 .LBB2_10-.Ltmp4, $4  }
0xf3: {  	v0 =	vld [tilespmem:s24+$0x10060]  }
0xf4: {  	[tilespmem:s24+$0x0] =	vst.add.f32.msk $0xffff, v4  }
0xf5: {  	[tilespmem:s25+$0x0] =	vst.add.f32.msk $0xffff, v5  }
0xf6: {  	[tilespmem:s26+$0x0] =	vst.add.f32.msk $0xffff, v6  }
0xf7: {  	[tilespmem:s23+$0x0] =	vst.add.f32.msk $0xffff, v2  }
0xf8: {  	[tilespmem:s22+$0x0] =	vst.add.f32.msk $0xffff, v3  }
0xf9: {  	[tilespmem:s21+$0x0] =	vst.add.f32.msk $0xffff, v1  }
0xfa: {  	[tilespmem:s20+$0x0] =	vst.add.f32.msk $0xffff, v0  }
0xfb: {  	s17 =	simm.s32 $0x0;
	s18 =	rddreg [dreg:$0xd]  }
0xfc: {  	[hbm4b:s18+s17] =	stream.linear.scatter [tilespmem:s17], [sflag:$0x3], $0x8000, $0x38;
	[tilespmem:$0x18000] =	vst v63  }
0xfd: {  	_ =	swait.ge [sflag:s13], $0x8000  }
0xfe: {  	[sflag:s13] =	ssyncset.done $0x0  }
0xff: {  	s18 =	simm.s32 $0x0;
	[sflag:s13] =	ssyncadd.s32 $0xFFFF8000  }
0x100: {  	s25 =	sand.u32 $0x1C00, s17;
	s19 =	sand.u32 $0x6000, s18;
	_ =	swait.ge [sflag:s14], $0x8000  }
0x101: {  	s26 =	sand.u32 $0x380, s17;
	s19 =	sor.u32 s19, s25;
	[sflag:s14] =	ssyncset.done $0x0  }
0x102: {  	s19 =	sor.u32 s26, s19;
	s24 =	rddreg [dreg:$0xe];
	[sflag:s14] =	ssyncadd.s32 $0xFFFF8000  }
0x103: {  	[tilespmem:s17], [sflag:$0x1] =	stream.linear.gather [hbm4b:s24+s17], $0x8000, $0x38;
	[tilespmem:$0x18000] =	vst v63  }
0x104: {  	v0 =	vld [tilespmem:s19+$0x10070]  }
0x105: {  	v4 =	vld [tilespmem:s19+$0x10000]  }
0x106: {  	v5 =	vld [tilespmem:s19+$0x10010]  }
0x107: {  	v6 =	vld [tilespmem:s19+$0x10020]  }
0x108: {  	v2 =	vld [tilespmem:s19+$0x10030]  }
0x109: {  	v3 =	vld [tilespmem:s19+$0x10040]  }
0x10a: {  	s20 =	sor.u32 $0x8070, s19;
	v1 =	vld [tilespmem:s19+$0x10060]  }
0x10b: {  	[tilespmem:s20+$0x0] =	vst.add.f32.msk $0xffff, v0  }
0x10c: {  	s28 =	sor.u32 $0x8000, s19;
	v0 =	vld [tilespmem:s19+$0x10050]  }
0x10d: {  	s29 =	sor.u32 $0x8010, s19;
	[tilespmem:s28+$0x0] =	vst.add.f32.msk $0xffff, v4  }
0x10e: {  	s23 =	sor.u32 $0x8030, s19;
	s22 =	sor.u32 $0x8040, s19;
	s24 =	sor.u32 $0x8020, s19;
	[tilespmem:s29+$0x0] =	vst.add.f32.msk $0xffff, v5  }
0x10f: {  	s21 =	sor.u32 $0x8060, s19;
	s20 =	sor.u32 $0x8050, s19;
	[tilespmem:s24+$0x0] =	vst.add.f32.msk $0xffff, v6;
	s19 =	simm.s32 $0x0  }
.LBB2_12:
0x110: {  	s18 =	sadd.s32 $0x80, s18;
	[tilespmem:s23+$0x0] =	vst.add.f32.msk $0xffff, v2;
	s17 =	sadd.s32 $0x400, s17  }
0x111: {  	s19 =	sadd.s32 $0x10, s19;
	s23 =	sand.u32 $0x6000, s18;
	s24 =	sand.u32 $0x1C00, s17;
	[tilespmem:s22+$0x0] =	vst.add.f32.msk $0xffff, v3  }
0x112: {  	p0 =	slt.u32 s18, $0x7F80;
	s22 =	sor.u32 s23, s24;
	s23 =	sand.u32 $0x380, s19;
	[tilespmem:s20+$0x0] =	vst.add.f32.msk $0xffff, v0  }
0x113: {  	s24 =	sor.u32 s23, s22;
	[tilespmem:s21+$0x0] =	vst.add.f32.msk $0xffff, v1  }
0x114: {  	s25 =	sor.u32 $0x8000, s24;
	s26 =	sor.u32 $0x8010, s24;
	s28 =	sor.u32 $0x8020, s24;
	v0 =	vld [tilespmem:s24+$0x10070]  }
0x115: {  	s23 =	sor.u32 $0x8030, s24;
	s22 =	sor.u32 $0x8040, s24;
	s20 =	sor.u32 $0x8050, s24;
	v4 =	vld [tilespmem:s24+$0x10000]  }
0x116: {  	s21 =	sor.u32 $0x8060, s24;
	v5 =	vld [tilespmem:s24+$0x10010]  }
0x117: {  	v6 =	vld [tilespmem:s24+$0x10020]  }
0x118: {  	s29 =	sor.u32 $0x8070, s24;
	v2 =	vld [tilespmem:s24+$0x10030]  }
0x119: {  	[tilespmem:s29+$0x0] =	vst.add.f32.msk $0xffff, v0  }
0x11a: {  	v3 =	vld [tilespmem:s24+$0x10040]  }
.Ltmp5:
0x11b: {  	v0 =	vld [tilespmem:s24+$0x10050];
	(pc) =	sbr.rel @p0 .LBB2_12-.Ltmp5, $4  }
0x11c: {  	v1 =	vld [tilespmem:s24+$0x10060]  }
0x11d: {  	[tilespmem:s25+$0x0] =	vst.add.f32.msk $0xffff, v4  }
0x11e: {  	[tilespmem:s26+$0x0] =	vst.add.f32.msk $0xffff, v5  }
0x11f: {  	[tilespmem:s28+$0x0] =	vst.add.f32.msk $0xffff, v6  }
0x120: {  	[tilespmem:s23+$0x0] =	vst.add.f32.msk $0xffff, v2  }
0x121: {  	[tilespmem:s22+$0x0] =	vst.add.f32.msk $0xffff, v3  }
0x122: {  	[tilespmem:s20+$0x0] =	vst.add.f32.msk $0xffff, v0  }
0x123: {  	[tilespmem:s21+$0x0] =	vst.add.f32.msk $0xffff, v1  }
0x124: {  	s17 =	simm.s32 $0x0;
	s18 =	rddreg [dreg:$0xf]  }
0x125: {  	[hbm4b:s18+s17] =	stream.linear.scatter [tilespmem:s12], [sflag:$0x4], $0x8000, $0x38;
	[tilespmem:$0x18000] =	vst v63  }
0x126: {  	_ =	swait.ge [sflag:s11], $0x8000  }
0x127: {  	[sflag:s11] =	ssyncset.done $0x0  }
0x128: {  	s18 =	simm.s32 $0x0;
	[sflag:s11] =	ssyncadd.s32 $0xFFFF8000  }
0x129: {  	s26 =	sand.u32 $0x1C00, s17;
	s19 =	sand.u32 $0x6000, s18;
	_ =	swait.ge [sflag:s15], $0x8000  }
0x12a: {  	s28 =	sand.u32 $0x380, s17;
	s19 =	sor.u32 s19, s26;
	[sflag:s15] =	ssyncset.done $0x0  }
0x12b: {  	s19 =	sor.u32 s28, s19;
	s25 =	rddreg [dreg:$0x10];
	[sflag:s15] =	ssyncadd.s32 $0xFFFF8000  }
0x12c: {  	[tilespmem:s12], [sflag:$0x2] =	stream.linear.gather [hbm4b:s25+s17], $0x8000, $0x38;
	[tilespmem:$0x18000] =	vst v63  }
0x12d: {  	v0 =	vld [tilespmem:s19+$0x10070]  }
0x12e: {  	v4 =	vld [tilespmem:s19+$0x10000]  }
0x12f: {  	v5 =	vld [tilespmem:s19+$0x10010]  }
0x130: {  	v6 =	vld [tilespmem:s19+$0x10020]  }
0x131: {  	v2 =	vld [tilespmem:s19+$0x10030]  }
0x132: {  	v3 =	vld [tilespmem:s19+$0x10040]  }
0x133: {  	s20 =	sor.u32 $0x70, s19;
	v1 =	vld [tilespmem:s19+$0x10050]  }
0x134: {  	[tilespmem:s20+$0x0] =	vst.add.f32.msk $0xffff, v0  }
0x135: {  	v0 =	vld [tilespmem:s19+$0x10060]  }
0x136: {  	s29 =	sor.u32 $0x10, s19;
	[tilespmem:s19+$0x0] =	vst.add.f32.msk $0xffff, v4  }
0x137: {  	s24 =	sor.u32 $0x20, s19;
	s23 =	sor.u32 $0x30, s19;
	s22 =	sor.u32 $0x40, s19;
	[tilespmem:s29+$0x0] =	vst.add.f32.msk $0xffff, v5  }
0x138: {  	s21 =	sor.u32 $0x50, s19;
	s20 =	sor.u32 $0x60, s19;
	[tilespmem:s24+$0x0] =	vst.add.f32.msk $0xffff, v6;
	s19 =	simm.s32 $0x0  }
.LBB2_14:
0x139: {  	s18 =	sadd.s32 $0x80, s18;
	[tilespmem:s23+$0x0] =	vst.add.f32.msk $0xffff, v2;
	s17 =	sadd.s32 $0x400, s17  }
0x13a: {  	s19 =	sadd.s32 $0x10, s19;
	s23 =	sand.u32 $0x6000, s18;
	s24 =	sand.u32 $0x1C00, s17;
	[tilespmem:s22+$0x0] =	vst.add.f32.msk $0xffff, v3  }
0x13b: {  	p0 =	slt.u32 s18, $0x7F80;
	s22 =	sor.u32 s23, s24;
	s23 =	sand.u32 $0x380, s19;
	[tilespmem:s21+$0x0] =	vst.add.f32.msk $0xffff, v1  }
0x13c: {  	s24 =	sor.u32 s23, s22;
	[tilespmem:s20+$0x0] =	vst.add.f32.msk $0xffff, v0  }
0x13d: {  	s25 =	sor.u32 $0x10, s24;
	s26 =	sor.u32 $0x20, s24;
	s23 =	sor.u32 $0x30, s24;
	v0 =	vld [tilespmem:s24+$0x10070]  }
0x13e: {  	s22 =	sor.u32 $0x40, s24;
	s21 =	sor.u32 $0x50, s24;
	s20 =	sor.u32 $0x60, s24;
	v4 =	vld [tilespmem:s24+$0x10000]  }
0x13f: {  	v5 =	vld [tilespmem:s24+$0x10010]  }
0x140: {  	v6 =	vld [tilespmem:s24+$0x10020]  }
0x141: {  	s28 =	sor.u32 $0x70, s24;
	v2 =	vld [tilespmem:s24+$0x10030]  }
0x142: {  	[tilespmem:s28+$0x0] =	vst.add.f32.msk $0xffff, v0  }
0x143: {  	v3 =	vld [tilespmem:s24+$0x10040]  }
.Ltmp6:
0x144: {  	v1 =	vld [tilespmem:s24+$0x10050];
	(pc) =	sbr.rel @p0 .LBB2_14-.Ltmp6, $4  }
0x145: {  	v0 =	vld [tilespmem:s24+$0x10060]  }
0x146: {  	[tilespmem:s24+$0x0] =	vst.add.f32.msk $0xffff, v4  }
0x147: {  	[tilespmem:s25+$0x0] =	vst.add.f32.msk $0xffff, v5  }
0x148: {  	[tilespmem:s26+$0x0] =	vst.add.f32.msk $0xffff, v6  }
0x149: {  	[tilespmem:s23+$0x0] =	vst.add.f32.msk $0xffff, v2  }
0x14a: {  	[tilespmem:s22+$0x0] =	vst.add.f32.msk $0xffff, v3  }
0x14b: {  	[tilespmem:s21+$0x0] =	vst.add.f32.msk $0xffff, v1  }
0x14c: {  	[tilespmem:s20+$0x0] =	vst.add.f32.msk $0xffff, v0  }
0x14d: {  	s17 =	simm.s32 $0x0;
	s18 =	rddreg [dreg:$0x11]  }
0x14e: {  	[hbm4b:s18+s17] =	stream.linear.scatter [tilespmem:s17], [sflag:$0x3], $0x8000, $0x38;
	[tilespmem:$0x18000] =	vst v63  }
0x14f: {  	_ =	swait.ge [sflag:s13], $0x8000  }
0x150: {  	[sflag:s13] =	ssyncset.done $0x0  }
0x151: {  	s18 =	simm.s32 $0x0;
	[sflag:s13] =	ssyncadd.s32 $0xFFFF8000  }
0x152: {  	s25 =	sand.u32 $0x1C00, s17;
	s19 =	sand.u32 $0x6000, s18;
	_ =	swait.ge [sflag:s14], $0x8000  }
0x153: {  	s26 =	sand.u32 $0x380, s17;
	s19 =	sor.u32 s19, s25;
	[sflag:s14] =	ssyncset.done $0x0  }
0x154: {  	s19 =	sor.u32 s26, s19;
	s24 =	rddreg [dreg:$0x12];
	[sflag:s14] =	ssyncadd.s32 $0xFFFF8000  }
0x155: {  	[tilespmem:s17], [sflag:$0x1] =	stream.linear.gather [hbm4b:s24+s17], $0x8000, $0x38;
	[tilespmem:$0x18000] =	vst v63  }
0x156: {  	v0 =	vld [tilespmem:s19+$0x10070]  }
0x157: {  	v4 =	vld [tilespmem:s19+$0x10000]  }
0x158: {  	v5 =	vld [tilespmem:s19+$0x10010]  }
0x159: {  	v6 =	vld [tilespmem:s19+$0x10020]  }
0x15a: {  	v2 =	vld [tilespmem:s19+$0x10030]  }
0x15b: {  	v3 =	vld [tilespmem:s19+$0x10040]  }
0x15c: {  	s20 =	sor.u32 $0x8070, s19;
	v1 =	vld [tilespmem:s19+$0x10060]  }
0x15d: {  	[tilespmem:s20+$0x0] =	vst.add.f32.msk $0xffff, v0  }
0x15e: {  	s28 =	sor.u32 $0x8000, s19;
	v0 =	vld [tilespmem:s19+$0x10050]  }
0x15f: {  	s29 =	sor.u32 $0x8010, s19;
	[tilespmem:s28+$0x0] =	vst.add.f32.msk $0xffff, v4  }
0x160: {  	s23 =	sor.u32 $0x8030, s19;
	s22 =	sor.u32 $0x8040, s19;
	s24 =	sor.u32 $0x8020, s19;
	[tilespmem:s29+$0x0] =	vst.add.f32.msk $0xffff, v5  }
0x161: {  	s21 =	sor.u32 $0x8060, s19;
	s20 =	sor.u32 $0x8050, s19;
	[tilespmem:s24+$0x0] =	vst.add.f32.msk $0xffff, v6;
	s19 =	simm.s32 $0x0  }
.LBB2_16:
0x162: {  	s18 =	sadd.s32 $0x80, s18;
	[tilespmem:s23+$0x0] =	vst.add.f32.msk $0xffff, v2;
	s17 =	sadd.s32 $0x400, s17  }
0x163: {  	s19 =	sadd.s32 $0x10, s19;
	s23 =	sand.u32 $0x6000, s18;
	s24 =	sand.u32 $0x1C00, s17;
	[tilespmem:s22+$0x0] =	vst.add.f32.msk $0xffff, v3  }
0x164: {  	p0 =	slt.u32 s18, $0x7F80;
	s22 =	sor.u32 s23, s24;
	s23 =	sand.u32 $0x380, s19;
	[tilespmem:s20+$0x0] =	vst.add.f32.msk $0xffff, v0  }
0x165: {  	s24 =	sor.u32 s23, s22;
	[tilespmem:s21+$0x0] =	vst.add.f32.msk $0xffff, v1  }
0x166: {  	s25 =	sor.u32 $0x8000, s24;
	s26 =	sor.u32 $0x8010, s24;
	s28 =	sor.u32 $0x8020, s24;
	v0 =	vld [tilespmem:s24+$0x10070]  }
0x167: {  	s23 =	sor.u32 $0x8030, s24;
	s22 =	sor.u32 $0x8040, s24;
	s20 =	sor.u32 $0x8050, s24;
	v4 =	vld [tilespmem:s24+$0x10000]  }
0x168: {  	s21 =	sor.u32 $0x8060, s24;
	v5 =	vld [tilespmem:s24+$0x10010]  }
0x169: {  	v6 =	vld [tilespmem:s24+$0x10020]  }
0x16a: {  	s29 =	sor.u32 $0x8070, s24;
	v2 =	vld [tilespmem:s24+$0x10030]  }
0x16b: {  	[tilespmem:s29+$0x0] =	vst.add.f32.msk $0xffff, v0  }
0x16c: {  	v3 =	vld [tilespmem:s24+$0x10040]  }
.Ltmp7:
0x16d: {  	v0 =	vld [tilespmem:s24+$0x10050];
	(pc) =	sbr.rel @p0 .LBB2_16-.Ltmp7, $4  }
0x16e: {  	v1 =	vld [tilespmem:s24+$0x10060]  }
0x16f: {  	[tilespmem:s25+$0x0] =	vst.add.f32.msk $0xffff, v4  }
0x170: {  	[tilespmem:s26+$0x0] =	vst.add.f32.msk $0xffff, v5  }
0x171: {  	[tilespmem:s28+$0x0] =	vst.add.f32.msk $0xffff, v6  }
0x172: {  	[tilespmem:s23+$0x0] =	vst.add.f32.msk $0xffff, v2  }
0x173: {  	[tilespmem:s22+$0x0] =	vst.add.f32.msk $0xffff, v3  }
0x174: {  	[tilespmem:s20+$0x0] =	vst.add.f32.msk $0xffff, v0  }
0x175: {  	[tilespmem:s21+$0x0] =	vst.add.f32.msk $0xffff, v1  }
0x176: {  	s17 =	simm.s32 $0x0;
	s18 =	rddreg [dreg:$0x13]  }
0x177: {  	[tilespmem:s9], [sflag:$0x5] =	stream.linear.gather [hbm4b:s18+s17], $0x8000, $0x38;
	[tilespmem:$0x18000] =	vst v63  }
0x178: {  	s24 =	rddreg [dreg:$0x14]  }
0x179: {  	[hbm4b:s24+s17] =	stream.linear.scatter [tilespmem:s12], [sflag:$0x4], $0x8000, $0x38;
	[tilespmem:$0x18000] =	vst v63  }
0x17a: {  	_ =	swait.ge [sflag:s10], $0x8000  }
0x17b: {  	[sflag:s10] =	ssyncset.done $0x0  }
0x17c: {  	[sflag:s10] =	ssyncadd.s32 $0xFFFF8000  }
0x17d: {  	_ =	swait.ge [sflag:s11], $0x8000  }
0x17e: {  	[sflag:s11] =	ssyncset.done $0x0  }
0x17f: {  	s18 =	simm.s32 $0x0;
	[sflag:s11] =	ssyncadd.s32 $0xFFFF8000  }
0x180: {  	s26 =	sand.u32 $0x1C00, s17;
	s19 =	sand.u32 $0x6000, s18;
	_ =	swait.ge [sflag:s15], $0x8000  }
0x181: {  	s28 =	sand.u32 $0x380, s17;
	s19 =	sor.u32 s19, s26;
	[sflag:s15] =	ssyncset.done $0x0  }
0x182: {  	s19 =	sor.u32 s28, s19;
	s25 =	rddreg [dreg:$0x16];
	[sflag:s15] =	ssyncadd.s32 $0xFFFF8000  }
0x183: {  	[tilespmem:s12], [sflag:$0x2] =	stream.linear.gather [hbm4b:s25+s17], $0x8000, $0x38;
	[tilespmem:$0x18000] =	vst v63  }
0x184: {  	v0 =	vld [tilespmem:s19+$0x10070]  }
0x185: {  	v4 =	vld [tilespmem:s19+$0x10000]  }
0x186: {  	v5 =	vld [tilespmem:s19+$0x10010]  }
0x187: {  	v6 =	vld [tilespmem:s19+$0x10020]  }
0x188: {  	v2 =	vld [tilespmem:s19+$0x10030]  }
0x189: {  	v3 =	vld [tilespmem:s19+$0x10040]  }
0x18a: {  	s20 =	sor.u32 $0x70, s19;
	v1 =	vld [tilespmem:s19+$0x10050]  }
0x18b: {  	[tilespmem:s20+$0x0] =	vst.add.f32.msk $0xffff, v0  }
0x18c: {  	v0 =	vld [tilespmem:s19+$0x10060]  }
0x18d: {  	s29 =	sor.u32 $0x10, s19;
	[tilespmem:s19+$0x0] =	vst.add.f32.msk $0xffff, v4  }
0x18e: {  	s24 =	sor.u32 $0x20, s19;
	s23 =	sor.u32 $0x30, s19;
	s22 =	sor.u32 $0x40, s19;
	[tilespmem:s29+$0x0] =	vst.add.f32.msk $0xffff, v5  }
0x18f: {  	s21 =	sor.u32 $0x50, s19;
	s20 =	sor.u32 $0x60, s19;
	[tilespmem:s24+$0x0] =	vst.add.f32.msk $0xffff, v6;
	s19 =	simm.s32 $0x0  }
.LBB2_18:
0x190: {  	s18 =	sadd.s32 $0x80, s18;
	[tilespmem:s23+$0x0] =	vst.add.f32.msk $0xffff, v2;
	s17 =	sadd.s32 $0x400, s17  }
0x191: {  	s19 =	sadd.s32 $0x10, s19;
	s23 =	sand.u32 $0x6000, s18;
	s24 =	sand.u32 $0x1C00, s17;
	[tilespmem:s22+$0x0] =	vst.add.f32.msk $0xffff, v3  }
0x192: {  	p0 =	slt.u32 s18, $0x7F80;
	s22 =	sor.u32 s23, s24;
	s23 =	sand.u32 $0x380, s19;
	[tilespmem:s21+$0x0] =	vst.add.f32.msk $0xffff, v1  }
0x193: {  	s24 =	sor.u32 s23, s22;
	[tilespmem:s20+$0x0] =	vst.add.f32.msk $0xffff, v0  }
0x194: {  	s25 =	sor.u32 $0x10, s24;
	s26 =	sor.u32 $0x20, s24;
	s23 =	sor.u32 $0x30, s24;
	v0 =	vld [tilespmem:s24+$0x10070]  }
0x195: {  	s22 =	sor.u32 $0x40, s24;
	s21 =	sor.u32 $0x50, s24;
	s20 =	sor.u32 $0x60, s24;
	v4 =	vld [tilespmem:s24+$0x10000]  }
0x196: {  	v5 =	vld [tilespmem:s24+$0x10010]  }
0x197: {  	v6 =	vld [tilespmem:s24+$0x10020]  }
0x198: {  	s28 =	sor.u32 $0x70, s24;
	v2 =	vld [tilespmem:s24+$0x10030]  }
0x199: {  	[tilespmem:s28+$0x0] =	vst.add.f32.msk $0xffff, v0  }
0x19a: {  	v3 =	vld [tilespmem:s24+$0x10040]  }
.Ltmp8:
0x19b: {  	v1 =	vld [tilespmem:s24+$0x10050];
	(pc) =	sbr.rel @p0 .LBB2_18-.Ltmp8, $4  }
0x19c: {  	v0 =	vld [tilespmem:s24+$0x10060]  }
0x19d: {  	[tilespmem:s24+$0x0] =	vst.add.f32.msk $0xffff, v4  }
0x19e: {  	[tilespmem:s25+$0x0] =	vst.add.f32.msk $0xffff, v5  }
0x19f: {  	[tilespmem:s26+$0x0] =	vst.add.f32.msk $0xffff, v6  }
0x1a0: {  	[tilespmem:s23+$0x0] =	vst.add.f32.msk $0xffff, v2  }
0x1a1: {  	[tilespmem:s22+$0x0] =	vst.add.f32.msk $0xffff, v3  }
0x1a2: {  	[tilespmem:s21+$0x0] =	vst.add.f32.msk $0xffff, v1  }
0x1a3: {  	[tilespmem:s20+$0x0] =	vst.add.f32.msk $0xffff, v0  }
0x1a4: {  	s17 =	simm.s32 $0x0;
	s18 =	rddreg [dreg:$0x15]  }
0x1a5: {  	[hbm4b:s18+s17] =	stream.linear.scatter [tilespmem:s17], [sflag:$0x3], $0x8000, $0x38;
	[tilespmem:$0x18000] =	vst v63  }
0x1a6: {  	_ =	swait.ge [sflag:s13], $0x8000  }
0x1a7: {  	[sflag:s13] =	ssyncset.done $0x0  }
0x1a8: {  	s18 =	simm.s32 $0x0;
	[sflag:s13] =	ssyncadd.s32 $0xFFFF8000  }
0x1a9: {  	s25 =	sand.u32 $0x1C00, s17;
	s19 =	sand.u32 $0x6000, s18;
	_ =	swait.ge [sflag:s14], $0x8000  }
0x1aa: {  	s26 =	sand.u32 $0x380, s17;
	s19 =	sor.u32 s19, s25;
	[sflag:s14] =	ssyncset.done $0x0  }
0x1ab: {  	s19 =	sor.u32 s26, s19;
	s24 =	rddreg [dreg:$0x18];
	[sflag:s14] =	ssyncadd.s32 $0xFFFF8000  }
0x1ac: {  	[tilespmem:s17], [sflag:$0x1] =	stream.linear.gather [hbm4b:s24+s17], $0x8000, $0x38;
	[tilespmem:$0x18000] =	vst v63  }
0x1ad: {  	v0 =	vld [tilespmem:s19+$0x10070]  }
0x1ae: {  	v4 =	vld [tilespmem:s19+$0x10000]  }
0x1af: {  	v5 =	vld [tilespmem:s19+$0x10010]  }
0x1b0: {  	v6 =	vld [tilespmem:s19+$0x10020]  }
0x1b1: {  	v2 =	vld [tilespmem:s19+$0x10030]  }
0x1b2: {  	v3 =	vld [tilespmem:s19+$0x10040]  }
0x1b3: {  	s20 =	sor.u32 $0x8070, s19;
	v1 =	vld [tilespmem:s19+$0x10060]  }
0x1b4: {  	[tilespmem:s20+$0x0] =	vst.add.f32.msk $0xffff, v0  }
0x1b5: {  	s28 =	sor.u32 $0x8000, s19;
	v0 =	vld [tilespmem:s19+$0x10050]  }
0x1b6: {  	s29 =	sor.u32 $0x8010, s19;
	[tilespmem:s28+$0x0] =	vst.add.f32.msk $0xffff, v4  }
0x1b7: {  	s23 =	sor.u32 $0x8030, s19;
	s22 =	sor.u32 $0x8040, s19;
	s24 =	sor.u32 $0x8020, s19;
	[tilespmem:s29+$0x0] =	vst.add.f32.msk $0xffff, v5  }
0x1b8: {  	s21 =	sor.u32 $0x8060, s19;
	s20 =	sor.u32 $0x8050, s19;
	[tilespmem:s24+$0x0] =	vst.add.f32.msk $0xffff, v6;
	s19 =	simm.s32 $0x0  }
.LBB2_20:
0x1b9: {  	s18 =	sadd.s32 $0x80, s18;
	[tilespmem:s23+$0x0] =	vst.add.f32.msk $0xffff, v2;
	s17 =	sadd.s32 $0x400, s17  }
0x1ba: {  	s19 =	sadd.s32 $0x10, s19;
	s23 =	sand.u32 $0x6000, s18;
	s24 =	sand.u32 $0x1C00, s17;
	[tilespmem:s22+$0x0] =	vst.add.f32.msk $0xffff, v3  }
0x1bb: {  	p0 =	slt.u32 s18, $0x7F80;
	s22 =	sor.u32 s23, s24;
	s23 =	sand.u32 $0x380, s19;
	[tilespmem:s20+$0x0] =	vst.add.f32.msk $0xffff, v0  }
0x1bc: {  	s24 =	sor.u32 s23, s22;
	[tilespmem:s21+$0x0] =	vst.add.f32.msk $0xffff, v1  }
0x1bd: {  	s25 =	sor.u32 $0x8000, s24;
	s26 =	sor.u32 $0x8010, s24;
	s28 =	sor.u32 $0x8020, s24;
	v0 =	vld [tilespmem:s24+$0x10070]  }
0x1be: {  	s23 =	sor.u32 $0x8030, s24;
	s22 =	sor.u32 $0x8040, s24;
	s20 =	sor.u32 $0x8050, s24;
	v4 =	vld [tilespmem:s24+$0x10000]  }
0x1bf: {  	s21 =	sor.u32 $0x8060, s24;
	v5 =	vld [tilespmem:s24+$0x10010]  }
0x1c0: {  	v6 =	vld [tilespmem:s24+$0x10020]  }
0x1c1: {  	s29 =	sor.u32 $0x8070, s24;
	v2 =	vld [tilespmem:s24+$0x10030]  }
0x1c2: {  	[tilespmem:s29+$0x0] =	vst.add.f32.msk $0xffff, v0  }
0x1c3: {  	v3 =	vld [tilespmem:s24+$0x10040]  }
.Ltmp9:
0x1c4: {  	v0 =	vld [tilespmem:s24+$0x10050];
	(pc) =	sbr.rel @p0 .LBB2_20-.Ltmp9, $4  }
0x1c5: {  	v1 =	vld [tilespmem:s24+$0x10060]  }
0x1c6: {  	[tilespmem:s25+$0x0] =	vst.add.f32.msk $0xffff, v4  }
0x1c7: {  	[tilespmem:s26+$0x0] =	vst.add.f32.msk $0xffff, v5  }
0x1c8: {  	[tilespmem:s28+$0x0] =	vst.add.f32.msk $0xffff, v6  }
0x1c9: {  	[tilespmem:s23+$0x0] =	vst.add.f32.msk $0xffff, v2  }
0x1ca: {  	[tilespmem:s22+$0x0] =	vst.add.f32.msk $0xffff, v3  }
0x1cb: {  	[tilespmem:s20+$0x0] =	vst.add.f32.msk $0xffff, v0  }
0x1cc: {  	[tilespmem:s21+$0x0] =	vst.add.f32.msk $0xffff, v1  }
0x1cd: {  	s17 =	simm.s32 $0x0;
	s18 =	rddreg [dreg:$0x17]  }
0x1ce: {  	[hbm4b:s18+s17] =	stream.linear.scatter [tilespmem:s12], [sflag:$0x4], $0x8000, $0x38;
	[tilespmem:$0x18000] =	vst v63  }
0x1cf: {  	_ =	swait.ge [sflag:s11], $0x8000  }
0x1d0: {  	[sflag:s11] =	ssyncset.done $0x0  }
0x1d1: {  	s18 =	simm.s32 $0x0;
	[sflag:s11] =	ssyncadd.s32 $0xFFFF8000  }
0x1d2: {  	s26 =	sand.u32 $0x1C00, s17;
	s19 =	sand.u32 $0x6000, s18;
	_ =	swait.ge [sflag:s15], $0x8000  }
0x1d3: {  	s28 =	sand.u32 $0x380, s17;
	s19 =	sor.u32 s19, s26;
	[sflag:s15] =	ssyncset.done $0x0  }
0x1d4: {  	s19 =	sor.u32 s28, s19;
	s25 =	rddreg [dreg:$0x1c];
	[sflag:s15] =	ssyncadd.s32 $0xFFFF8000  }
0x1d5: {  	[tilespmem:s12], [sflag:$0x2] =	stream.linear.gather [hbm4b:s25+s17], $0x8000, $0x38;
	[tilespmem:$0x18000] =	vst v63  }
0x1d6: {  	v0 =	vld [tilespmem:s19+$0x10070]  }
0x1d7: {  	v4 =	vld [tilespmem:s19+$0x10000]  }
0x1d8: {  	v5 =	vld [tilespmem:s19+$0x10010]  }
0x1d9: {  	v6 =	vld [tilespmem:s19+$0x10020]  }
0x1da: {  	v2 =	vld [tilespmem:s19+$0x10030]  }
0x1db: {  	v3 =	vld [tilespmem:s19+$0x10040]  }
0x1dc: {  	s20 =	sor.u32 $0x70, s19;
	v1 =	vld [tilespmem:s19+$0x10050]  }
0x1dd: {  	[tilespmem:s20+$0x0] =	vst.add.f32.msk $0xffff, v0  }
0x1de: {  	v0 =	vld [tilespmem:s19+$0x10060]  }
0x1df: {  	s29 =	sor.u32 $0x10, s19;
	[tilespmem:s19+$0x0] =	vst.add.f32.msk $0xffff, v4  }
0x1e0: {  	s24 =	sor.u32 $0x20, s19;
	s23 =	sor.u32 $0x30, s19;
	s22 =	sor.u32 $0x40, s19;
	[tilespmem:s29+$0x0] =	vst.add.f32.msk $0xffff, v5  }
0x1e1: {  	s21 =	sor.u32 $0x50, s19;
	s20 =	sor.u32 $0x60, s19;
	[tilespmem:s24+$0x0] =	vst.add.f32.msk $0xffff, v6;
	s19 =	simm.s32 $0x0  }
.LBB2_22:
0x1e2: {  	s18 =	sadd.s32 $0x80, s18;
	[tilespmem:s23+$0x0] =	vst.add.f32.msk $0xffff, v2;
	s17 =	sadd.s32 $0x400, s17  }
0x1e3: {  	s19 =	sadd.s32 $0x10, s19;
	s23 =	sand.u32 $0x6000, s18;
	s24 =	sand.u32 $0x1C00, s17;
	[tilespmem:s22+$0x0] =	vst.add.f32.msk $0xffff, v3  }
0x1e4: {  	p0 =	slt.u32 s18, $0x7F80;
	s22 =	sor.u32 s23, s24;
	s23 =	sand.u32 $0x380, s19;
	[tilespmem:s21+$0x0] =	vst.add.f32.msk $0xffff, v1  }
0x1e5: {  	s24 =	sor.u32 s23, s22;
	[tilespmem:s20+$0x0] =	vst.add.f32.msk $0xffff, v0  }
0x1e6: {  	s25 =	sor.u32 $0x10, s24;
	s26 =	sor.u32 $0x20, s24;
	s23 =	sor.u32 $0x30, s24;
	v0 =	vld [tilespmem:s24+$0x10070]  }
0x1e7: {  	s22 =	sor.u32 $0x40, s24;
	s21 =	sor.u32 $0x50, s24;
	s20 =	sor.u32 $0x60, s24;
	v4 =	vld [tilespmem:s24+$0x10000]  }
0x1e8: {  	v5 =	vld [tilespmem:s24+$0x10010]  }
0x1e9: {  	v6 =	vld [tilespmem:s24+$0x10020]  }
0x1ea: {  	s28 =	sor.u32 $0x70, s24;
	v2 =	vld [tilespmem:s24+$0x10030]  }
0x1eb: {  	[tilespmem:s28+$0x0] =	vst.add.f32.msk $0xffff, v0  }
0x1ec: {  	v3 =	vld [tilespmem:s24+$0x10040]  }
.Ltmp10:
0x1ed: {  	v1 =	vld [tilespmem:s24+$0x10050];
	(pc) =	sbr.rel @p0 .LBB2_22-.Ltmp10, $4  }
0x1ee: {  	v0 =	vld [tilespmem:s24+$0x10060]  }
0x1ef: {  	[tilespmem:s24+$0x0] =	vst.add.f32.msk $0xffff, v4  }
0x1f0: {  	[tilespmem:s25+$0x0] =	vst.add.f32.msk $0xffff, v5  }
0x1f1: {  	[tilespmem:s26+$0x0] =	vst.add.f32.msk $0xffff, v6  }
0x1f2: {  	[tilespmem:s23+$0x0] =	vst.add.f32.msk $0xffff, v2  }
0x1f3: {  	[tilespmem:s22+$0x0] =	vst.add.f32.msk $0xffff, v3  }
0x1f4: {  	[tilespmem:s21+$0x0] =	vst.add.f32.msk $0xffff, v1  }
0x1f5: {  	[tilespmem:s20+$0x0] =	vst.add.f32.msk $0xffff, v0  }
0x1f6: {  	s17 =	simm.s32 $0x0;
	s18 =	rddreg [dreg:$0x19]  }
0x1f7: {  	[hbm4b:s18+s17] =	stream.linear.scatter [tilespmem:s17], [sflag:$0x3], $0x8000, $0x38;
	[tilespmem:$0x18000] =	vst v63  }
0x1f8: {  	_ =	swait.ge [sflag:s13], $0x8000  }
0x1f9: {  	[sflag:s13] =	ssyncset.done $0x0  }
0x1fa: {  	s18 =	simm.s32 $0x0;
	[sflag:s13] =	ssyncadd.s32 $0xFFFF8000  }
0x1fb: {  	s25 =	sand.u32 $0x1C00, s17;
	s19 =	sand.u32 $0x6000, s18;
	_ =	swait.ge [sflag:s14], $0x8000  }
0x1fc: {  	s26 =	sand.u32 $0x380, s17;
	s19 =	sor.u32 s19, s25;
	[sflag:s14] =	ssyncset.done $0x0  }
0x1fd: {  	s19 =	sor.u32 s26, s19;
	s24 =	rddreg [dreg:$0x1e];
	[sflag:s14] =	ssyncadd.s32 $0xFFFF8000  }
0x1fe: {  	[tilespmem:s17], [sflag:$0x1] =	stream.linear.gather [hbm4b:s24+s17], $0x8000, $0x38;
	[tilespmem:$0x18000] =	vst v63  }
0x1ff: {  	v0 =	vld [tilespmem:s19+$0x10070]  }
0x200: {  	v4 =	vld [tilespmem:s19+$0x10000]  }
0x201: {  	v5 =	vld [tilespmem:s19+$0x10010]  }
0x202: {  	v6 =	vld [tilespmem:s19+$0x10020]  }
0x203: {  	v2 =	vld [tilespmem:s19+$0x10030]  }
0x204: {  	v3 =	vld [tilespmem:s19+$0x10040]  }
0x205: {  	s20 =	sor.u32 $0x8070, s19;
	v1 =	vld [tilespmem:s19+$0x10060]  }
0x206: {  	[tilespmem:s20+$0x0] =	vst.add.f32.msk $0xffff, v0  }
0x207: {  	s28 =	sor.u32 $0x8000, s19;
	v0 =	vld [tilespmem:s19+$0x10050]  }
0x208: {  	s29 =	sor.u32 $0x8010, s19;
	[tilespmem:s28+$0x0] =	vst.add.f32.msk $0xffff, v4  }
0x209: {  	s23 =	sor.u32 $0x8030, s19;
	s22 =	sor.u32 $0x8040, s19;
	s24 =	sor.u32 $0x8020, s19;
	[tilespmem:s29+$0x0] =	vst.add.f32.msk $0xffff, v5  }
0x20a: {  	s21 =	sor.u32 $0x8060, s19;
	s20 =	sor.u32 $0x8050, s19;
	[tilespmem:s24+$0x0] =	vst.add.f32.msk $0xffff, v6;
	s19 =	simm.s32 $0x0  }
.LBB2_24:
0x20b: {  	s18 =	sadd.s32 $0x80, s18;
	[tilespmem:s23+$0x0] =	vst.add.f32.msk $0xffff, v2;
	s17 =	sadd.s32 $0x400, s17  }
0x20c: {  	s19 =	sadd.s32 $0x10, s19;
	s23 =	sand.u32 $0x6000, s18;
	s24 =	sand.u32 $0x1C00, s17;
	[tilespmem:s22+$0x0] =	vst.add.f32.msk $0xffff, v3  }
0x20d: {  	p0 =	slt.u32 s18, $0x7F80;
	s22 =	sor.u32 s23, s24;
	s23 =	sand.u32 $0x380, s19;
	[tilespmem:s20+$0x0] =	vst.add.f32.msk $0xffff, v0  }
0x20e: {  	s24 =	sor.u32 s23, s22;
	[tilespmem:s21+$0x0] =	vst.add.f32.msk $0xffff, v1  }
0x20f: {  	s25 =	sor.u32 $0x8000, s24;
	s26 =	sor.u32 $0x8010, s24;
	s28 =	sor.u32 $0x8020, s24;
	v0 =	vld [tilespmem:s24+$0x10070]  }
0x210: {  	s23 =	sor.u32 $0x8030, s24;
	s22 =	sor.u32 $0x8040, s24;
	s20 =	sor.u32 $0x8050, s24;
	v4 =	vld [tilespmem:s24+$0x10000]  }
0x211: {  	s21 =	sor.u32 $0x8060, s24;
	v5 =	vld [tilespmem:s24+$0x10010]  }
0x212: {  	v6 =	vld [tilespmem:s24+$0x10020]  }
0x213: {  	s29 =	sor.u32 $0x8070, s24;
	v2 =	vld [tilespmem:s24+$0x10030]  }
0x214: {  	[tilespmem:s29+$0x0] =	vst.add.f32.msk $0xffff, v0  }
0x215: {  	v3 =	vld [tilespmem:s24+$0x10040]  }
.Ltmp11:
0x216: {  	v0 =	vld [tilespmem:s24+$0x10050];
	(pc) =	sbr.rel @p0 .LBB2_24-.Ltmp11, $4  }
0x217: {  	v1 =	vld [tilespmem:s24+$0x10060]  }
0x218: {  	[tilespmem:s25+$0x0] =	vst.add.f32.msk $0xffff, v4  }
0x219: {  	[tilespmem:s26+$0x0] =	vst.add.f32.msk $0xffff, v5  }
0x21a: {  	[tilespmem:s28+$0x0] =	vst.add.f32.msk $0xffff, v6  }
0x21b: {  	[tilespmem:s23+$0x0] =	vst.add.f32.msk $0xffff, v2  }
0x21c: {  	[tilespmem:s22+$0x0] =	vst.add.f32.msk $0xffff, v3  }
0x21d: {  	[tilespmem:s20+$0x0] =	vst.add.f32.msk $0xffff, v0  }
0x21e: {  	[tilespmem:s21+$0x0] =	vst.add.f32.msk $0xffff, v1  }
0x21f: {  	s17 =	simm.s32 $0x0;
	s18 =	rddreg [dreg:$0x1b]  }
0x220: {  	[tilespmem:s9], [sflag:$0x5] =	stream.linear.gather [hbm4b:s18+s17], $0x8000, $0x38;
	[tilespmem:$0x18000] =	vst v63  }
0x221: {  	s25 =	rddreg [dreg:$0x1d]  }
0x222: {  	[hbm4b:s25+s17] =	stream.linear.scatter [tilespmem:s12], [sflag:$0x4], $0x8000, $0x38;
	[tilespmem:$0x18000] =	vst v63  }
0x223: {  	_ =	swait.ge [sflag:s10], $0x8000  }
0x224: {  	[sflag:s10] =	ssyncset.done $0x0  }
0x225: {  	[sflag:s10] =	ssyncadd.s32 $0xFFFF8000  }
0x226: {  	_ =	swait.ge [sflag:s11], $0x8000  }
0x227: {  	[sflag:s11] =	ssyncset.done $0x0  }
0x228: {  	s18 =	simm.s32 $0x0;
	[sflag:s11] =	ssyncadd.s32 $0xFFFF8000  }
0x229: {  	s26 =	sand.u32 $0x1C00, s17;
	s19 =	sand.u32 $0x6000, s18;
	_ =	swait.ge [sflag:s15], $0x8000  }
0x22a: {  	s28 =	sand.u32 $0x380, s17;
	s19 =	sor.u32 s19, s26;
	[sflag:s15] =	ssyncset.done $0x0  }
0x22b: {  	s19 =	sor.u32 s28, s19;
	[sflag:s15] =	ssyncadd.s32 $0xFFFF8000  }
0x22c: {  	[tilespmem:s12], [sflag:$0x2] =	stream.linear.gather [hbm4b:s31+s17], $0x8000, $0x38;
	[tilespmem:$0x18000] =	vst v63  }
0x22d: {  	v0 =	vld [tilespmem:s19+$0x10070]  }
0x22e: {  	v4 =	vld [tilespmem:s19+$0x10000]  }
0x22f: {  	v5 =	vld [tilespmem:s19+$0x10010]  }
0x230: {  	v6 =	vld [tilespmem:s19+$0x10020]  }
0x231: {  	v2 =	vld [tilespmem:s19+$0x10030]  }
0x232: {  	v3 =	vld [tilespmem:s19+$0x10040]  }
0x233: {  	s20 =	sor.u32 $0x70, s19;
	v1 =	vld [tilespmem:s19+$0x10050]  }
0x234: {  	[tilespmem:s20+$0x0] =	vst.add.f32.msk $0xffff, v0  }
0x235: {  	v0 =	vld [tilespmem:s19+$0x10060]  }
0x236: {  	s29 =	sor.u32 $0x10, s19;
	[tilespmem:s19+$0x0] =	vst.add.f32.msk $0xffff, v4  }
0x237: {  	s24 =	sor.u32 $0x20, s19;
	s23 =	sor.u32 $0x30, s19;
	s22 =	sor.u32 $0x40, s19;
	[tilespmem:s29+$0x0] =	vst.add.f32.msk $0xffff, v5  }
0x238: {  	s21 =	sor.u32 $0x50, s19;
	s20 =	sor.u32 $0x60, s19;
	[tilespmem:s24+$0x0] =	vst.add.f32.msk $0xffff, v6;
	s19 =	simm.s32 $0x0  }
.LBB2_26:
0x239: {  	s18 =	sadd.s32 $0x80, s18;
	[tilespmem:s23+$0x0] =	vst.add.f32.msk $0xffff, v2;
	s17 =	sadd.s32 $0x400, s17  }
0x23a: {  	s19 =	sadd.s32 $0x10, s19;
	s23 =	sand.u32 $0x6000, s18;
	s24 =	sand.u32 $0x1C00, s17;
	[tilespmem:s22+$0x0] =	vst.add.f32.msk $0xffff, v3  }
0x23b: {  	p0 =	slt.u32 s18, $0x7F80;
	s22 =	sor.u32 s23, s24;
	s23 =	sand.u32 $0x380, s19;
	[tilespmem:s21+$0x0] =	vst.add.f32.msk $0xffff, v1  }
0x23c: {  	s24 =	sor.u32 s23, s22;
	[tilespmem:s20+$0x0] =	vst.add.f32.msk $0xffff, v0  }
0x23d: {  	s25 =	sor.u32 $0x10, s24;
	s26 =	sor.u32 $0x20, s24;
	s23 =	sor.u32 $0x30, s24;
	v0 =	vld [tilespmem:s24+$0x10070]  }
0x23e: {  	s22 =	sor.u32 $0x40, s24;
	s21 =	sor.u32 $0x50, s24;
	s20 =	sor.u32 $0x60, s24;
	v4 =	vld [tilespmem:s24+$0x10000]  }
0x23f: {  	v5 =	vld [tilespmem:s24+$0x10010]  }
0x240: {  	v6 =	vld [tilespmem:s24+$0x10020]  }
0x241: {  	s28 =	sor.u32 $0x70, s24;
	v2 =	vld [tilespmem:s24+$0x10030]  }
0x242: {  	[tilespmem:s28+$0x0] =	vst.add.f32.msk $0xffff, v0  }
0x243: {  	v3 =	vld [tilespmem:s24+$0x10040]  }
.Ltmp12:
0x244: {  	v1 =	vld [tilespmem:s24+$0x10050];
	(pc) =	sbr.rel @p0 .LBB2_26-.Ltmp12, $4  }
0x245: {  	v0 =	vld [tilespmem:s24+$0x10060]  }
0x246: {  	[tilespmem:s24+$0x0] =	vst.add.f32.msk $0xffff, v4  }
0x247: {  	[tilespmem:s25+$0x0] =	vst.add.f32.msk $0xffff, v5  }
0x248: {  	[tilespmem:s26+$0x0] =	vst.add.f32.msk $0xffff, v6  }
0x249: {  	[tilespmem:s23+$0x0] =	vst.add.f32.msk $0xffff, v2  }
0x24a: {  	[tilespmem:s22+$0x0] =	vst.add.f32.msk $0xffff, v3  }
0x24b: {  	[tilespmem:s21+$0x0] =	vst.add.f32.msk $0xffff, v1  }
0x24c: {  	s17 =	simm.s32 $0x0;
	[tilespmem:s20+$0x0] =	vst.add.f32.msk $0xffff, v0  }
0x24d: {  	[hbm4b:s30+s17] =	stream.linear.scatter [tilespmem:s17], [sflag:$0x3], $0x8000, $0x38;
	[tilespmem:$0x18000] =	vst v63  }
0x24e: {  	_ =	swait.ge [sflag:s13], $0x8000  }
0x24f: {  	[sflag:s13] =	ssyncset.done $0x0  }
0x250: {  	s18 =	simm.s32 $0x0;
	[sflag:s13] =	ssyncadd.s32 $0xFFFF8000  }
0x251: {  	s19 =	sand.u32 $0x6000, s18;
	s25 =	sand.u32 $0x1C00, s17;
	_ =	swait.ge [sflag:s14], $0x8000  }
0x252: {  	s26 =	sand.u32 $0x380, s17;
	s19 =	sor.u32 s19, s25;
	[sflag:s14] =	ssyncset.done $0x0  }
0x253: {  	s19 =	sor.u32 s26, s19;
	[sflag:s14] =	ssyncadd.s32 $0xFFFF8000  }
0x254: {  	[tilespmem:s17], [sflag:$0x1] =	stream.linear.gather [hbm4b:s4+s17], $0x8000, $0x38;
	[tilespmem:$0x18000] =	vst v63  }
0x255: {  	v0 =	vld [tilespmem:s19+$0x10070]  }
0x256: {  	v4 =	vld [tilespmem:s19+$0x10000]  }
0x257: {  	v5 =	vld [tilespmem:s19+$0x10010]  }
0x258: {  	v6 =	vld [tilespmem:s19+$0x10020]  }
0x259: {  	v2 =	vld [tilespmem:s19+$0x10030]  }
0x25a: {  	v3 =	vld [tilespmem:s19+$0x10040]  }
0x25b: {  	s20 =	sor.u32 $0x8070, s19;
	v1 =	vld [tilespmem:s19+$0x10060]  }
0x25c: {  	[tilespmem:s20+$0x0] =	vst.add.f32.msk $0xffff, v0  }
0x25d: {  	s28 =	sor.u32 $0x8000, s19;
	v0 =	vld [tilespmem:s19+$0x10050]  }
0x25e: {  	s29 =	sor.u32 $0x8010, s19;
	[tilespmem:s28+$0x0] =	vst.add.f32.msk $0xffff, v4  }
0x25f: {  	s24 =	sor.u32 $0x8020, s19;
	s23 =	sor.u32 $0x8030, s19;
	s22 =	sor.u32 $0x8040, s19;
	[tilespmem:s29+$0x0] =	vst.add.f32.msk $0xffff, v5  }
0x260: {  	s21 =	sor.u32 $0x8060, s19;
	s20 =	sor.u32 $0x8050, s19;
	[tilespmem:s24+$0x0] =	vst.add.f32.msk $0xffff, v6;
	s19 =	simm.s32 $0x0  }
.LBB2_28:
0x261: {  	s18 =	sadd.s32 $0x80, s18;
	[tilespmem:s23+$0x0] =	vst.add.f32.msk $0xffff, v2;
	s17 =	sadd.s32 $0x400, s17  }
0x262: {  	s19 =	sadd.s32 $0x10, s19;
	s23 =	sand.u32 $0x6000, s18;
	s24 =	sand.u32 $0x1C00, s17;
	[tilespmem:s22+$0x0] =	vst.add.f32.msk $0xffff, v3  }
0x263: {  	p0 =	slt.u32 s18, $0x7F80;
	s22 =	sor.u32 s23, s24;
	s23 =	sand.u32 $0x380, s19;
	[tilespmem:s20+$0x0] =	vst.add.f32.msk $0xffff, v0  }
0x264: {  	s24 =	sor.u32 s23, s22;
	[tilespmem:s21+$0x0] =	vst.add.f32.msk $0xffff, v1  }
0x265: {  	s25 =	sor.u32 $0x8000, s24;
	s26 =	sor.u32 $0x8010, s24;
	s28 =	sor.u32 $0x8020, s24;
	v0 =	vld [tilespmem:s24+$0x10070]  }
0x266: {  	s23 =	sor.u32 $0x8030, s24;
	s22 =	sor.u32 $0x8040, s24;
	s20 =	sor.u32 $0x8050, s24;
	v4 =	vld [tilespmem:s24+$0x10000]  }
0x267: {  	s21 =	sor.u32 $0x8060, s24;
	v5 =	vld [tilespmem:s24+$0x10010]  }
0x268: {  	v6 =	vld [tilespmem:s24+$0x10020]  }
0x269: {  	s29 =	sor.u32 $0x8070, s24;
	v2 =	vld [tilespmem:s24+$0x10030]  }
0x26a: {  	[tilespmem:s29+$0x0] =	vst.add.f32.msk $0xffff, v0  }
0x26b: {  	v3 =	vld [tilespmem:s24+$0x10040]  }
.Ltmp13:
0x26c: {  	v0 =	vld [tilespmem:s24+$0x10050];
	(pc) =	sbr.rel @p0 .LBB2_28-.Ltmp13, $4  }
0x26d: {  	v1 =	vld [tilespmem:s24+$0x10060]  }
0x26e: {  	[tilespmem:s25+$0x0] =	vst.add.f32.msk $0xffff, v4  }
0x26f: {  	[tilespmem:s26+$0x0] =	vst.add.f32.msk $0xffff, v5  }
0x270: {  	[tilespmem:s28+$0x0] =	vst.add.f32.msk $0xffff, v6  }
0x271: {  	[tilespmem:s23+$0x0] =	vst.add.f32.msk $0xffff, v2  }
0x272: {  	[tilespmem:s22+$0x0] =	vst.add.f32.msk $0xffff, v3  }
0x273: {  	[tilespmem:s20+$0x0] =	vst.add.f32.msk $0xffff, v0  }
0x274: {  	s17 =	simm.s32 $0x0;
	[tilespmem:s21+$0x0] =	vst.add.f32.msk $0xffff, v1  }
0x275: {  	[hbm4b:s0+s17] =	stream.linear.scatter [tilespmem:s12], [sflag:$0x4], $0x8000, $0x38;
	[tilespmem:$0x18000] =	vst v63  }
0x276: {  	_ =	swait.ge [sflag:s11], $0x8000  }
0x277: {  	[sflag:s11] =	ssyncset.done $0x0  }
0x278: {  	s18 =	simm.s32 $0x0;
	[sflag:s11] =	ssyncadd.s32 $0xFFFF8000  }
0x279: {  	s19 =	sand.u32 $0x6000, s18;
	s26 =	sand.u32 $0x1C00, s17;
	_ =	swait.ge [sflag:s15], $0x8000  }
0x27a: {  	s28 =	sand.u32 $0x380, s17;
	s19 =	sor.u32 s19, s26;
	[sflag:s15] =	ssyncset.done $0x0  }
0x27b: {  	s19 =	sor.u32 s28, s19;
	[sflag:s15] =	ssyncadd.s32 $0xFFFF8000  }
0x27c: {  	[tilespmem:s12], [sflag:$0x2] =	stream.linear.gather [hbm4b:s5+s17], $0x8000, $0x38;
	[tilespmem:$0x18000] =	vst v63  }
0x27d: {  	v0 =	vld [tilespmem:s19+$0x10070]  }
0x27e: {  	v4 =	vld [tilespmem:s19+$0x10000]  }
0x27f: {  	v5 =	vld [tilespmem:s19+$0x10010]  }
0x280: {  	v6 =	vld [tilespmem:s19+$0x10020]  }
0x281: {  	v2 =	vld [tilespmem:s19+$0x10030]  }
0x282: {  	v3 =	vld [tilespmem:s19+$0x10040]  }
0x283: {  	s20 =	sor.u32 $0x70, s19;
	v1 =	vld [tilespmem:s19+$0x10050]  }
0x284: {  	[tilespmem:s20+$0x0] =	vst.add.f32.msk $0xffff, v0  }
0x285: {  	v0 =	vld [tilespmem:s19+$0x10060]  }
0x286: {  	s29 =	sor.u32 $0x10, s19;
	[tilespmem:s19+$0x0] =	vst.add.f32.msk $0xffff, v4  }
0x287: {  	s24 =	sor.u32 $0x20, s19;
	s23 =	sor.u32 $0x30, s19;
	s22 =	sor.u32 $0x40, s19;
	[tilespmem:s29+$0x0] =	vst.add.f32.msk $0xffff, v5  }
0x288: {  	s21 =	sor.u32 $0x50, s19;
	s20 =	sor.u32 $0x60, s19;
	[tilespmem:s24+$0x0] =	vst.add.f32.msk $0xffff, v6;
	s19 =	simm.s32 $0x0  }
.LBB2_30:
0x289: {  	s18 =	sadd.s32 $0x80, s18;
	[tilespmem:s23+$0x0] =	vst.add.f32.msk $0xffff, v2;
	s17 =	sadd.s32 $0x400, s17  }
0x28a: {  	s19 =	sadd.s32 $0x10, s19;
	s23 =	sand.u32 $0x6000, s18;
	s24 =	sand.u32 $0x1C00, s17;
	[tilespmem:s22+$0x0] =	vst.add.f32.msk $0xffff, v3  }
0x28b: {  	p0 =	slt.u32 s18, $0x7F80;
	s22 =	sor.u32 s23, s24;
	s23 =	sand.u32 $0x380, s19;
	[tilespmem:s21+$0x0] =	vst.add.f32.msk $0xffff, v1  }
0x28c: {  	s24 =	sor.u32 s23, s22;
	[tilespmem:s20+$0x0] =	vst.add.f32.msk $0xffff, v0  }
0x28d: {  	s25 =	sor.u32 $0x10, s24;
	s26 =	sor.u32 $0x20, s24;
	s23 =	sor.u32 $0x30, s24;
	v0 =	vld [tilespmem:s24+$0x10070]  }
0x28e: {  	s22 =	sor.u32 $0x40, s24;
	s21 =	sor.u32 $0x50, s24;
	s20 =	sor.u32 $0x60, s24;
	v4 =	vld [tilespmem:s24+$0x10000]  }
0x28f: {  	v5 =	vld [tilespmem:s24+$0x10010]  }
0x290: {  	v6 =	vld [tilespmem:s24+$0x10020]  }
0x291: {  	s28 =	sor.u32 $0x70, s24;
	v2 =	vld [tilespmem:s24+$0x10030]  }
0x292: {  	[tilespmem:s28+$0x0] =	vst.add.f32.msk $0xffff, v0  }
0x293: {  	v3 =	vld [tilespmem:s24+$0x10040]  }
.Ltmp14:
0x294: {  	v1 =	vld [tilespmem:s24+$0x10050];
	(pc) =	sbr.rel @p0 .LBB2_30-.Ltmp14, $4  }
0x295: {  	v0 =	vld [tilespmem:s24+$0x10060]  }
0x296: {  	[tilespmem:s24+$0x0] =	vst.add.f32.msk $0xffff, v4  }
0x297: {  	[tilespmem:s25+$0x0] =	vst.add.f32.msk $0xffff, v5  }
0x298: {  	[tilespmem:s26+$0x0] =	vst.add.f32.msk $0xffff, v6  }
0x299: {  	[tilespmem:s23+$0x0] =	vst.add.f32.msk $0xffff, v2  }
0x29a: {  	[tilespmem:s22+$0x0] =	vst.add.f32.msk $0xffff, v3  }
0x29b: {  	[tilespmem:s21+$0x0] =	vst.add.f32.msk $0xffff, v1  }
0x29c: {  	s17 =	simm.s32 $0x0;
	s18 =	simm.s32 $0x0;
	[tilespmem:s20+$0x0] =	vst.add.f32.msk $0xffff, v0  }
0x29d: {  	[hbm4b:s6+s17] =	stream.linear.scatter [tilespmem:s17], [sflag:$0x3], $0x8000, $0x38;
	[tilespmem:$0x18000] =	vst v63  }
0x29e: {  	s19 =	sand.u32 $0x6000, s18;
	s25 =	sand.u32 $0x1C00, s17;
	_ =	swait.ge [sflag:s13], $0x8000  }
0x29f: {  	s26 =	sand.u32 $0x380, s17;
	s19 =	sor.u32 s19, s25;
	[sflag:s13] =	ssyncset.done $0x0  }
0x2a0: {  	s19 =	sor.u32 s26, s19;
	[sflag:s13] =	ssyncadd.s32 $0xFFFF8000  }
0x2a1: {  	v0 =	vld [tilespmem:s19+$0x10070]  }
0x2a2: {  	v4 =	vld [tilespmem:s19+$0x10000]  }
0x2a3: {  	v5 =	vld [tilespmem:s19+$0x10010]  }
0x2a4: {  	v6 =	vld [tilespmem:s19+$0x10020]  }
0x2a5: {  	v2 =	vld [tilespmem:s19+$0x10030]  }
0x2a6: {  	v3 =	vld [tilespmem:s19+$0x10040]  }
0x2a7: {  	s20 =	sor.u32 $0x8070, s19;
	v1 =	vld [tilespmem:s19+$0x10060]  }
0x2a8: {  	[tilespmem:s20+$0x0] =	vst.add.f32.msk $0xffff, v0  }
0x2a9: {  	s28 =	sor.u32 $0x8000, s19;
	v0 =	vld [tilespmem:s19+$0x10050]  }
0x2aa: {  	s29 =	sor.u32 $0x8010, s19;
	[tilespmem:s28+$0x0] =	vst.add.f32.msk $0xffff, v4  }
0x2ab: {  	s24 =	sor.u32 $0x8020, s19;
	s23 =	sor.u32 $0x8030, s19;
	s22 =	sor.u32 $0x8040, s19;
	[tilespmem:s29+$0x0] =	vst.add.f32.msk $0xffff, v5  }
0x2ac: {  	s21 =	sor.u32 $0x8060, s19;
	s20 =	sor.u32 $0x8050, s19;
	[tilespmem:s24+$0x0] =	vst.add.f32.msk $0xffff, v6;
	s19 =	simm.s32 $0x0  }
.LBB2_32:
0x2ad: {  	s18 =	sadd.s32 $0x80, s18;
	[tilespmem:s23+$0x0] =	vst.add.f32.msk $0xffff, v2;
	s17 =	sadd.s32 $0x400, s17  }
0x2ae: {  	s19 =	sadd.s32 $0x10, s19;
	s23 =	sand.u32 $0x6000, s18;
	s24 =	sand.u32 $0x1C00, s17;
	[tilespmem:s22+$0x0] =	vst.add.f32.msk $0xffff, v3  }
0x2af: {  	p0 =	slt.u32 s18, $0x7F80;
	s22 =	sor.u32 s23, s24;
	s23 =	sand.u32 $0x380, s19;
	[tilespmem:s20+$0x0] =	vst.add.f32.msk $0xffff, v0  }
0x2b0: {  	s24 =	sor.u32 s23, s22;
	[tilespmem:s21+$0x0] =	vst.add.f32.msk $0xffff, v1  }
0x2b1: {  	s25 =	sor.u32 $0x8000, s24;
	s26 =	sor.u32 $0x8010, s24;
	s28 =	sor.u32 $0x8020, s24;
	v0 =	vld [tilespmem:s24+$0x10070]  }
0x2b2: {  	s23 =	sor.u32 $0x8030, s24;
	s22 =	sor.u32 $0x8040, s24;
	s20 =	sor.u32 $0x8050, s24;
	v4 =	vld [tilespmem:s24+$0x10000]  }
0x2b3: {  	s21 =	sor.u32 $0x8060, s24;
	v5 =	vld [tilespmem:s24+$0x10010]  }
0x2b4: {  	v6 =	vld [tilespmem:s24+$0x10020]  }
0x2b5: {  	s29 =	sor.u32 $0x8070, s24;
	v2 =	vld [tilespmem:s24+$0x10030]  }
0x2b6: {  	[tilespmem:s29+$0x0] =	vst.add.f32.msk $0xffff, v0  }
0x2b7: {  	v3 =	vld [tilespmem:s24+$0x10040]  }
.Ltmp15:
0x2b8: {  	v0 =	vld [tilespmem:s24+$0x10050];
	(pc) =	sbr.rel @p0 .LBB2_32-.Ltmp15, $4  }
0x2b9: {  	v1 =	vld [tilespmem:s24+$0x10060]  }
0x2ba: {  	[tilespmem:s25+$0x0] =	vst.add.f32.msk $0xffff, v4  }
0x2bb: {  	[tilespmem:s26+$0x0] =	vst.add.f32.msk $0xffff, v5  }
0x2bc: {  	[tilespmem:s28+$0x0] =	vst.add.f32.msk $0xffff, v6  }
0x2bd: {  	[tilespmem:s23+$0x0] =	vst.add.f32.msk $0xffff, v2  }
0x2be: {  	[tilespmem:s22+$0x0] =	vst.add.f32.msk $0xffff, v3  }
0x2bf: {  	[tilespmem:s20+$0x0] =	vst.add.f32.msk $0xffff, v0  }
0x2c0: {  	s16 =	sadd.s32 $0x1, s16;
	[tilespmem:s21+$0x0] =	vst.add.f32.msk $0xffff, v1  }
0x2c1: {  	[hbm4b:s7+s1] =	stream.linear.scatter [tilespmem:s12], [sflag:$0x4], $0x8000, $0x38;
	[tilespmem:$0x18000] =	vst v63  }
0x2c2: {  	p0 =	sne.s32 s16, s8;
	_ =	swait.ge [sflag:s14], $0x8000  }
.Ltmp16:
0x2c3: {  	[sflag:s14] =	ssyncset.done $0x0;
	(pc) =	sbr.rel @p0 .LBB2_1-.Ltmp16, $4  }
0x2c4: {  	[sflag:s14] =	ssyncadd.s32 $0xFFFF8000  }
0x2c5: {  	_ =	swait.ge [sflag:s15], $0x8000  }
0x2c6: {  	[sflag:s15] =	ssyncset.done $0x0  }
0x2c7: {  	[sflag:s15] =	ssyncadd.s32 $0xFFFF8000  }
0x2c8: {  	_ =	sfence.sel $0x180000  }
0x2c9: {  	[bflag:$0x0] =	sbarrier.arrive $0xFFFF  }
0x2ca: {  	_ =	strace $0x90000047  }
0x2cb: {  	s0 =	stileid.u32;
	[bflag:$0x2] =	sbarrier.arrive $0xFFFF  }
0x2cc: {  	p0 =	sne.s32 s0, $0x0;
	s0 =	rddreg [dreg:$0x3]  }
0x2cd: {  	s0 =	sadd.s32 @!p0 $0x100000, s0  }
0x2ce: {  	[sflag:s0] =	ssyncadd.tile.s32 @!p0 $0x1;
	_ =	shalt  }
.Lfunc_end2:
_tile_overlayer_lowered:
.L_overlay_start_2:
0x2cf: {  	(tag) =	ssettag $0x2  }
0x2d0: {  	s0 =	rddreg [dreg:$0x0];
	s2 =	stileid.u32  }
0x2d1: {  	s1 =	rddreg [dreg:$0x1];
	p0 =	sne.s32 s2, $0x0  }
0x2d2: {  	s3 =	rddreg [dreg:$0x2];
	[bflag:$0x3] =	sbarrier.arrive $0xFFFF;
	s2 =	simm.s32 @!p0 $0x1C06  }
0x2d3: {  	[timem:s3], [sflag:s2] =	dma.local @!p0 [hbm:s0], s1  }
0x2d4: {  	s0 =	simm.s32 @!p0 $0x6  }
0x2d5: {  	_ =	swait.ge @!p0 [sflag:s0], s1  }
0x2d6: {  	s1 =	ssub.s32 @!p0 $0x0, s1;
	[sflag:s0] =	ssyncset.done @!p0 $0x0  }
0x2d7: {  	[sflag:s0] =	ssyncadd.s32 @!p0 s1  }
0x2d8: {  	[bflag:$0x3] =	sbarrier.arrive $0xFFFF  }
0x2d9: {  	_ =	shalt  }

</sc_bundles>
